<compile_context>
chip_gen: v7x
topology: tpu7x:2x2x1
jax: 0.10.2.dev20260603
libtpu: 0.0.44.dev20260713+nightly
codegen_flags: <defaults>
</compile_context>

<pallas_src>
import functools

import jax
import jax.numpy as jnp
from jax import lax
from jax.experimental import pallas as pl
from jax.experimental.pallas import tpu as pltpu
from jax.experimental.pallas import tpu_sc as plsc

TOPK = 16
EPS = 1e-6
_NTIES = 3


def _sc_top16(corr_t):
    BC, L = corr_t.shape
    info = plsc.get_sparse_core_info()
    nw = info.num_cores * info.num_subcores
    rows_per_tile = BC // nw
    nchunks = L // 16

    @functools.partial(
        pl.kernel,
        mesh=plsc.VectorSubcoreMesh(core_axis_name="c", subcore_axis_name="s"),
        out_type=jax.ShapeDtypeStruct((BC, 16), jnp.float32),
        scratch_types=[
            pltpu.VMEM((rows_per_tile, L), jnp.float32),
            pltpu.VMEM((rows_per_tile, 16), jnp.float32),
        ],
        compiler_params=pltpu.CompilerParams(needs_layout_passes=False),
    )
    def sc_kernel(corr_hbm, out_hbm, rows_v, tops_v):
        wid = lax.axis_index("s") * info.num_cores + lax.axis_index("c")
        base = wid * rows_per_tile
        pltpu.sync_copy(corr_hbm.at[pl.ds(base, rows_per_tile)], rows_v)
        for r in range(rows_per_tile):
            def chunk(j, t_asc):
                v = jnp.abs(rows_v[r, pl.ds(j * 16, 16)])
                vmax = jnp.max(v)
                tmin = jnp.min(t_asc)

                def merge(_):
                    vd, _unused = plsc.sort_key_val(v, v, descending=True)
                    u = jnp.maximum(t_asc, vd)
                    ts, _unused2 = plsc.sort_key_val(u, u)
                    return ts

                return lax.cond(vmax > tmin, merge, lambda _: t_asc, 0)

            t16 = lax.fori_loop(0, nchunks, chunk,
                                jnp.full((16,), -1.0, jnp.float32))
            tops_v[r] = t16
        pltpu.sync_copy(tops_v, out_hbm.at[pl.ds(base, rows_per_tile)])

    return sc_kernel(corr_t)


def _encoder_tail_kernel(corr_ref, seas_ref, tops_ref, wk_ref, b_ref,
                         scale_ref, bias_ref, out_ref):
    BC, L = corr_ref.shape
    C = out_ref.shape[1]
    B = BC // C
    hi = jax.lax.Precision.HIGHEST

    c = corr_ref[...]
    mag = jnp.abs(c)
    t = tops_ref[:, 0:1]
    iota = jax.lax.broadcasted_iota(jnp.int32, (BC, L), 1)

    gt = mag > t
    ng = jnp.sum(gt.astype(jnp.int32), axis=1)
    need = TOPK - ng
    eq = mag == t
    cur = jnp.where(eq, iota, L)
    sel = gt
    for k in range(_NTIES):
        imin = jnp.min(cur, axis=1)
        pick = (iota == imin[:, None]) & (need > k)[:, None]
        sel = sel | pick
        cur = jnp.where(iota == imin[:, None], L, cur)

    masked = jnp.where(sel, c, 0.0)
    ff = jax.lax.dot_general(
        wk_ref[...], masked, (((0,), (0,)), ((), ())),
        preferred_element_type=jnp.float32, precision=hi)
    x = seas_ref[...] + ff + b_ref[...]

    xr = x.reshape(B, C, L)
    mean = jnp.mean(xr, axis=1, keepdims=True)
    xc = xr - mean
    var = jnp.mean(xc * xc, axis=1, keepdims=True)
    normed = xc * jax.lax.rsqrt(var + EPS)
    o = normed.reshape(BC, L) * scale_ref[...] + bias_ref[...]
    for i in range(B):
        out_ref[pl.ds(i * L, L), :] = o[i * C:(i + 1) * C, :].T


def kernel(seasonal, trend, W, b, ln_scale, ln_bias):
    B, L, C = seasonal.shape
    D = W.shape[1]
    X = jnp.fft.rfft(seasonal, axis=1)
    P = X * jnp.conj(X)
    corr = jnp.fft.irfft(P, n=L, axis=1)

    corr_t = jax.lax.optimization_barrier(
        jnp.transpose(corr, (0, 2, 1)).reshape(B * C, L))
    seas_t = jnp.transpose(seasonal, (0, 2, 1)).reshape(B * C, L)

    tops = _sc_top16(corr_t)

    wk = jnp.kron(jnp.eye(B, dtype=jnp.float32), W)
    bt = jnp.tile(b, B).reshape(B * D, 1)
    st = jnp.tile(ln_scale, B).reshape(B * D, 1)
    bst = jnp.tile(ln_bias, B).reshape(B * D, 1)

    out2 = pl.pallas_call(
        _encoder_tail_kernel,
        out_shape=jax.ShapeDtypeStruct((B * L, D), jnp.float32),
    )(corr_t, seas_t, tops, wk, bt, st, bst)
    return (out2.reshape(B, L, D), trend)

# --- scband reference (transcript-rebuilt; emitter-appended) ---
"""Pipeline reference for scband-autoformer-encoder-layer-48034914239189 (READ-ONLY COPY).

The authoritative reference and input builder live on the scoring server;
editing this copy changes nothing except your own understanding.
"""

import jax, jax.numpy as jnp
import numpy as np

TOP_K = 16
D_MODEL = 64
EPS = 1e-6


def setup_inputs(seed: int = 0) -> dict:
    key = jax.random.key(seed)
    k1, k2, k3, k4 = jax.random.split(key, 4)
    B, L, C = 4, 4096, D_MODEL
    seasonal = jax.random.normal(k1, (B, L, C), dtype=jnp.float32)
    trend = jax.random.normal(k2, (B, L, C), dtype=jnp.float32)
    W = jax.random.normal(k3, (C, D_MODEL), dtype=jnp.float32) / jnp.sqrt(C)
    b = jnp.zeros((D_MODEL,), dtype=jnp.float32)
    ln_scale = jnp.ones((D_MODEL,), dtype=jnp.float32)
    ln_bias = jnp.zeros((D_MODEL,), dtype=jnp.float32)
    return {"seasonal": seasonal, "trend": trend, "W": W, "b": b, "ln_scale": ln_scale, "ln_bias": ln_bias}


def _auto_correlation(x):
    B, L, C = x.shape
    X_freq = jnp.fft.rfft(x, axis=1)
    AC_freq = X_freq * jnp.conj(X_freq)
    corr_time = jnp.fft.irfft(AC_freq, n=L, axis=1)
    mag = jnp.abs(corr_time)
    mag_t = jnp.transpose(mag, (0, 2, 1))
    topk_values, topk_indices = jax.lax.top_k(mag_t, TOP_K)
    one_hot = jax.nn.one_hot(topk_indices, num_classes=L)
    mask = jnp.sum(one_hot, axis=2)
    mask = jnp.transpose(mask, (0, 2, 1))
    return corr_time * mask


def reference(seasonal, trend, W, b, ln_scale, ln_bias):
    auto_seasonal = _auto_correlation(seasonal)
    ff = jnp.dot(auto_seasonal, W) + b
    # dropout deterministic (train=False / rate=0)
    x = seasonal + ff
    mean = jnp.mean(x, axis=-1, keepdims=True)
    var = jnp.var(x, axis=-1, keepdims=True)
    normed = (x - mean) / jnp.sqrt(var + EPS)
    seasonal_out = normed * ln_scale + ln_bias
    return (seasonal_out, trend)

if __name__ == "__main__":
    import jax
    _d = setup_inputs()
    print(jax.jit(kernel)(*tuple(_d.values())))

</pallas_src>

<mosaic_0001>
#map = affine_map<(d0, d1) -> (0, 0)>
module attributes {stable_mosaic.version = 14 : i64} {
  func.func @sc_kernel(%arg0: i32, %arg1: i32, %arg2: memref<256x4096xf32, #tpu.memory_space<hbm>>, %arg3: memref<256x16xf32, #tpu.memory_space<hbm>>, %arg4: memref<8x4096xf32, #tpu.memory_space<vmem>>, %arg5: memref<8x16xf32, #tpu.memory_space<vmem>>) attributes {dimension_semantics = [#tpu.dimension_semantics<core_parallel>, #tpu.dimension_semantics<subcore_parallel>], iteration_bounds = array<i64: 2, 16>, scalar_prefetch = 0 : i64, scratch_operands = 2 : i64, tpu.core_type = #tpu.core_type<sc_vector_subcore>, window_params = [{transform_indices = #map}, {transform_indices = #map}]} {
    %mul3A = arith.constant 2 : i32
    %mul3A_0 = arith.muli %arg1, %mul3A : i32
    %add3A = arith.addi %mul3A_0, %arg0 : i32
    %mul3A_1 = arith.constant 8 : i32
    %mul3A_2 = arith.muli %add3A, %mul3A_1 : i32
    "tpu.region"() ({
      %run_scoped3A = tpu.sem_alloc : memref<!tpu.dma_semaphore, #tpu.memory_space<semaphore_mem>>
      %dma_start3A = arith.constant 0 : i32
      %dma_start3A_96 = tpu.memref_slice %arg2[%mul3A_2, %dma_start3A] : memref<256x4096xf32, #tpu.memory_space<hbm>> -> memref<8x4096xf32, #tpu.memory_space<hbm>>
      %dma_start3A_97 = arith.constant 0 : i32
      %dma_start3A_98 = tpu.memref_slice %arg2[%mul3A_2, %dma_start3A_97] : memref<256x4096xf32, #tpu.memory_space<hbm>> -> memref<8x4096xf32, #tpu.memory_space<hbm>>
      tpu.enqueue_dma source(%dma_start3A_98 : memref<8x4096xf32, #tpu.memory_space<hbm>>) target(%arg4 : memref<8x4096xf32, #tpu.memory_space<vmem>>) target_semaphore(%run_scoped3A : memref<!tpu.dma_semaphore, #tpu.memory_space<semaphore_mem>>)
      %dma_wait3A = arith.constant 0 : i32
      %dma_wait3A_99 = tpu.memref_slice %arg2[%mul3A_2, %dma_wait3A] : memref<256x4096xf32, #tpu.memory_space<hbm>> -> memref<8x4096xf32, #tpu.memory_space<hbm>>
      %dma_wait3A_100 = arith.constant 0 : i32
      %dma_wait3A_101 = tpu.memref_slice %arg2[%mul3A_2, %dma_wait3A_100] : memref<256x4096xf32, #tpu.memory_space<hbm>> -> memref<8x4096xf32, #tpu.memory_space<hbm>>
      tpu.wait_dma2 semaphore(%run_scoped3A : memref<!tpu.dma_semaphore, #tpu.memory_space<semaphore_mem>>) src(%dma_wait3A_101 : memref<8x4096xf32, #tpu.memory_space<hbm>>) dst(%arg4 : memref<8x4096xf32, #tpu.memory_space<vmem>>)
      tpu.yield
    }) : () -> ()
    %broadcast_in_dim3A = arith.constant -1.000000e+00 : f32
    %broadcast_in_dim3A_3 = vector.broadcast %broadcast_in_dim3A : f32 to vector<16xf32>
    %scan3A = arith.constant 0 : i32
    %scan3A_4 = arith.constant 256 : i32
    %scan3A_5 = arith.addi %scan3A, %scan3A_4 : i32
    %scan3A_6 = arith.constant 1 : i32
    %scan3A_7 = scf.for %scan3A_96 = %scan3A to %scan3A_5 step %scan3A_6 iter_args(%scan3A_97 = %broadcast_in_dim3A_3) -> (vector<16xf32>)  : i32 {
      %mul3A_98 = arith.constant 16 : i32
      %mul3A_99 = arith.muli %scan3A_96, %mul3A_98 : i32
      %get3A = arith.constant 0 : i32
      %get3A_100 = arith.index_cast %get3A : i32 to index
      %get3A_101 = arith.index_cast %mul3A_99 : i32 to index
      %get3A_102 = tpu.vector_load %arg4[%get3A_100, %get3A_101] {strides = array<i32>} : memref<8x4096xf32, #tpu.memory_space<vmem>>, vector<16xf32>,
      %abs3A = math.absf %get3A_102 : vector<16xf32>
      %reduce_max3A = arith.constant true
      %reduce_max3A_103 = vector.broadcast %reduce_max3A : i1 to vector<16xi1>
      %reduce_max3A_104 = tpu.scan <max>, %abs3A masked %reduce_max3A_103 : vector<16xf32>, vector<16xi1> -> vector<16xf32>
      %reduce_max3A_105 = vector.extract %reduce_max3A_104[15] : f32 from vector<16xf32>
      %reduce_min3A = arith.constant true
      %reduce_min3A_106 = vector.broadcast %reduce_min3A : i1 to vector<16xi1>
      %reduce_min3A_107 = tpu.scan <min>, %scan3A_97 masked %reduce_min3A_106 : vector<16xf32>, vector<16xi1> -> vector<16xf32>
      %reduce_min3A_108 = vector.extract %reduce_min3A_107[15] : f32 from vector<16xf32>
      %gt3A = arith.cmpf ogt, %reduce_max3A_105, %reduce_min3A_108 : f32
      %convert_element_type3A = arith.extui %gt3A : i1 to i32
      %cond3A = arith.constant 0 : i32
      %cond3A_109 = arith.constant 0 : i32
      %cond3A_110 = arith.cmpi ne, %convert_element_type3A, %cond3A_109 : i32
      %cond3A_111 = scf.if %cond3A_110 -> (vector<16xf32>) {
        %masked_sort3A = arith.constant dense<true> : vector<16xi1>
        %masked_sort3A_112, %masked_sort3A_113, %masked_sort3A_114 = tpu.sort %abs3A, %abs3A masked %masked_sort3A {descending = true} : (vector<16xf32>, vector<16xf32>, vector<16xi1>) -> (vector<16xi1>, vector<16xf32>, vector<16xf32>)
        %max3A = arith.maximumf %scan3A_97, %masked_sort3A_113 : vector<16xf32>
        %masked_sort3A_115 = arith.constant dense<true> : vector<16xi1>
        %masked_sort3A_116, %masked_sort3A_117, %masked_sort3A_118 = tpu.sort %max3A, %max3A masked %masked_sort3A_115 : (vector<16xf32>, vector<16xf32>, vector<16xi1>) -> (vector<16xi1>, vector<16xf32>, vector<16xf32>)
        scf.yield %masked_sort3A_117 : vector<16xf32>
      } else {
        scf.yield %scan3A_97 : vector<16xf32>
      }
      scf.yield %cond3A_111 : vector<16xf32>
    }
    %scan3A_8 = arith.constant 256 : i32
    %swap3A = arith.constant 0 : i32
    %swap3A_9 = arith.index_cast %swap3A : i32 to index
    %swap3A_10 = arith.constant 0 : index
    %swap3A_11 = tpu.vector_load %arg5[%swap3A_9, %swap3A_10] {strides = array<i32>} : memref<8x16xf32, #tpu.memory_space<vmem>>, vector<16xf32>,
    tpu.vector_store %arg5[%swap3A_9, %swap3A_10], %scan3A_7 {strides = array<i32>} : memref<8x16xf32, #tpu.memory_space<vmem>>, vector<16xf32>,
    %broadcast_in_dim3A_12 = arith.constant -1.000000e+00 : f32
    %broadcast_in_dim3A_13 = vector.broadcast %broadcast_in_dim3A_12 : f32 to vector<16xf32>
    %scan3A_14 = arith.constant 0 : i32
    %scan3A_15 = arith.constant 256 : i32
    %scan3A_16 = arith.addi %scan3A_14, %scan3A_15 : i32
    %scan3A_17 = arith.constant 1 : i32
    %scan3A_18 = scf.for %scan3A_96 = %scan3A_14 to %scan3A_16 step %scan3A_17 iter_args(%scan3A_97 = %broadcast_in_dim3A_13) -> (vector<16xf32>)  : i32 {
      %mul3A_98 = arith.constant 16 : i32
      %mul3A_99 = arith.muli %scan3A_96, %mul3A_98 : i32
      %get3A = arith.constant 1 : i32
      %get3A_100 = arith.index_cast %get3A : i32 to index
      %get3A_101 = arith.index_cast %mul3A_99 : i32 to index
      %get3A_102 = tpu.vector_load %arg4[%get3A_100, %get3A_101] {strides = array<i32>} : memref<8x4096xf32, #tpu.memory_space<vmem>>, vector<16xf32>,
      %abs3A = math.absf %get3A_102 : vector<16xf32>
      %reduce_max3A = arith.constant true
      %reduce_max3A_103 = vector.broadcast %reduce_max3A : i1 to vector<16xi1>
      %reduce_max3A_104 = tpu.scan <max>, %abs3A masked %reduce_max3A_103 : vector<16xf32>, vector<16xi1> -> vector<16xf32>
      %reduce_max3A_105 = vector.extract %reduce_max3A_104[15] : f32 from vector<16xf32>
      %reduce_min3A = arith.constant true
      %reduce_min3A_106 = vector.broadcast %reduce_min3A : i1 to vector<16xi1>
      %reduce_min3A_107 = tpu.scan <min>, %scan3A_97 masked %reduce_min3A_106 : vector<16xf32>, vector<16xi1> -> vector<16xf32>
      %reduce_min3A_108 = vector.extract %reduce_min3A_107[15] : f32 from vector<16xf32>
      %gt3A = arith.cmpf ogt, %reduce_max3A_105, %reduce_min3A_108 : f32
      %convert_element_type3A = arith.extui %gt3A : i1 to i32
      %cond3A = arith.constant 0 : i32
      %cond3A_109 = arith.constant 0 : i32
      %cond3A_110 = arith.cmpi ne, %convert_element_type3A, %cond3A_109 : i32
      %cond3A_111 = scf.if %cond3A_110 -> (vector<16xf32>) {
        %masked_sort3A = arith.constant dense<true> : vector<16xi1>
        %masked_sort3A_112, %masked_sort3A_113, %masked_sort3A_114 = tpu.sort %abs3A, %abs3A masked %masked_sort3A {descending = true} : (vector<16xf32>, vector<16xf32>, vector<16xi1>) -> (vector<16xi1>, vector<16xf32>, vector<16xf32>)
        %max3A = arith.maximumf %scan3A_97, %masked_sort3A_113 : vector<16xf32>
        %masked_sort3A_115 = arith.constant dense<true> : vector<16xi1>
        %masked_sort3A_116, %masked_sort3A_117, %masked_sort3A_118 = tpu.sort %max3A, %max3A masked %masked_sort3A_115 : (vector<16xf32>, vector<16xf32>, vector<16xi1>) -> (vector<16xi1>, vector<16xf32>, vector<16xf32>)
        scf.yield %masked_sort3A_117 : vector<16xf32>
      } else {
        scf.yield %scan3A_97 : vector<16xf32>
      }
      scf.yield %cond3A_111 : vector<16xf32>
    }
    %scan3A_19 = arith.constant 256 : i32
    %swap3A_20 = arith.constant 1 : i32
    %swap3A_21 = arith.index_cast %swap3A_20 : i32 to index
    %swap3A_22 = arith.constant 0 : index
    %swap3A_23 = tpu.vector_load %arg5[%swap3A_21, %swap3A_22] {strides = array<i32>} : memref<8x16xf32, #tpu.memory_space<vmem>>, vector<16xf32>,
    tpu.vector_store %arg5[%swap3A_21, %swap3A_22], %scan3A_18 {strides = array<i32>} : memref<8x16xf32, #tpu.memory_space<vmem>>, vector<16xf32>,
    %broadcast_in_dim3A_24 = arith.constant -1.000000e+00 : f32
    %broadcast_in_dim3A_25 = vector.broadcast %broadcast_in_dim3A_24 : f32 to vector<16xf32>
    %scan3A_26 = arith.constant 0 : i32
    %scan3A_27 = arith.constant 256 : i32
    %scan3A_28 = arith.addi %scan3A_26, %scan3A_27 : i32
    %scan3A_29 = arith.constant 1 : i32
    %scan3A_30 = scf.for %scan3A_96 = %scan3A_26 to %scan3A_28 step %scan3A_29 iter_args(%scan3A_97 = %broadcast_in_dim3A_25) -> (vector<16xf32>)  : i32 {
      %mul3A_98 = arith.constant 16 : i32
      %mul3A_99 = arith.muli %scan3A_96, %mul3A_98 : i32
      %get3A = arith.constant 2 : i32
      %get3A_100 = arith.index_cast %get3A : i32 to index
      %get3A_101 = arith.index_cast %mul3A_99 : i32 to index
      %get3A_102 = tpu.vector_load %arg4[%get3A_100, %get3A_101] {strides = array<i32>} : memref<8x4096xf32, #tpu.memory_space<vmem>>, vector<16xf32>,
      %abs3A = math.absf %get3A_102 : vector<16xf32>
      %reduce_max3A = arith.constant true
      %reduce_max3A_103 = vector.broadcast %reduce_max3A : i1 to vector<16xi1>
      %reduce_max3A_104 = tpu.scan <max>, %abs3A masked %reduce_max3A_103 : vector<16xf32>, vector<16xi1> -> vector<16xf32>
      %reduce_max3A_105 = vector.extract %reduce_max3A_104[15] : f32 from vector<16xf32>
      %reduce_min3A = arith.constant true
      %reduce_min3A_106 = vector.broadcast %reduce_min3A : i1 to vector<16xi1>
      %reduce_min3A_107 = tpu.scan <min>, %scan3A_97 masked %reduce_min3A_106 : vector<16xf32>, vector<16xi1> -> vector<16xf32>
      %reduce_min3A_108 = vector.extract %reduce_min3A_107[15] : f32 from vector<16xf32>
      %gt3A = arith.cmpf ogt, %reduce_max3A_105, %reduce_min3A_108 : f32
      %convert_element_type3A = arith.extui %gt3A : i1 to i32
      %cond3A = arith.constant 0 : i32
      %cond3A_109 = arith.constant 0 : i32
      %cond3A_110 = arith.cmpi ne, %convert_element_type3A, %cond3A_109 : i32
      %cond3A_111 = scf.if %cond3A_110 -> (vector<16xf32>) {
        %masked_sort3A = arith.constant dense<true> : vector<16xi1>
        %masked_sort3A_112, %masked_sort3A_113, %masked_sort3A_114 = tpu.sort %abs3A, %abs3A masked %masked_sort3A {descending = true} : (vector<16xf32>, vector<16xf32>, vector<16xi1>) -> (vector<16xi1>, vector<16xf32>, vector<16xf32>)
        %max3A = arith.maximumf %scan3A_97, %masked_sort3A_113 : vector<16xf32>
        %masked_sort3A_115 = arith.constant dense<true> : vector<16xi1>
        %masked_sort3A_116, %masked_sort3A_117, %masked_sort3A_118 = tpu.sort %max3A, %max3A masked %masked_sort3A_115 : (vector<16xf32>, vector<16xf32>, vector<16xi1>) -> (vector<16xi1>, vector<16xf32>, vector<16xf32>)
        scf.yield %masked_sort3A_117 : vector<16xf32>
      } else {
        scf.yield %scan3A_97 : vector<16xf32>
      }
      scf.yield %cond3A_111 : vector<16xf32>
    }
    %scan3A_31 = arith.constant 256 : i32
    %swap3A_32 = arith.constant 2 : i32
    %swap3A_33 = arith.index_cast %swap3A_32 : i32 to index
    %swap3A_34 = arith.constant 0 : index
    %swap3A_35 = tpu.vector_load %arg5[%swap3A_33, %swap3A_34] {strides = array<i32>} : memref<8x16xf32, #tpu.memory_space<vmem>>, vector<16xf32>,
    tpu.vector_store %arg5[%swap3A_33, %swap3A_34], %scan3A_30 {strides = array<i32>} : memref<8x16xf32, #tpu.memory_space<vmem>>, vector<16xf32>,
    %broadcast_in_dim3A_36 = arith.constant -1.000000e+00 : f32
    %broadcast_in_dim3A_37 = vector.broadcast %broadcast_in_dim3A_36 : f32 to vector<16xf32>
    %scan3A_38 = arith.constant 0 : i32
    %scan3A_39 = arith.constant 256 : i32
    %scan3A_40 = arith.addi %scan3A_38, %scan3A_39 : i32
    %scan3A_41 = arith.constant 1 : i32
    %scan3A_42 = scf.for %scan3A_96 = %scan3A_38 to %scan3A_40 step %scan3A_41 iter_args(%scan3A_97 = %broadcast_in_dim3A_37) -> (vector<16xf32>)  : i32 {
      %mul3A_98 = arith.constant 16 : i32
      %mul3A_99 = arith.muli %scan3A_96, %mul3A_98 : i32
      %get3A = arith.constant 3 : i32
      %get3A_100 = arith.index_cast %get3A : i32 to index
      %get3A_101 = arith.index_cast %mul3A_99 : i32 to index
      %get3A_102 = tpu.vector_load %arg4[%get3A_100, %get3A_101] {strides = array<i32>} : memref<8x4096xf32, #tpu.memory_space<vmem>>, vector<16xf32>,
      %abs3A = math.absf %get3A_102 : vector<16xf32>
      %reduce_max3A = arith.constant true
      %reduce_max3A_103 = vector.broadcast %reduce_max3A : i1 to vector<16xi1>
      %reduce_max3A_104 = tpu.scan <max>, %abs3A masked %reduce_max3A_103 : vector<16xf32>, vector<16xi1> -> vector<16xf32>
      %reduce_max3A_105 = vector.extract %reduce_max3A_104[15] : f32 from vector<16xf32>
      %reduce_min3A = arith.constant true
      %reduce_min3A_106 = vector.broadcast %reduce_min3A : i1 to vector<16xi1>
      %reduce_min3A_107 = tpu.scan <min>, %scan3A_97 masked %reduce_min3A_106 : vector<16xf32>, vector<16xi1> -> vector<16xf32>
      %reduce_min3A_108 = vector.extract %reduce_min3A_107[15] : f32 from vector<16xf32>
      %gt3A = arith.cmpf ogt, %reduce_max3A_105, %reduce_min3A_108 : f32
      %convert_element_type3A = arith.extui %gt3A : i1 to i32
      %cond3A = arith.constant 0 : i32
      %cond3A_109 = arith.constant 0 : i32
      %cond3A_110 = arith.cmpi ne, %convert_element_type3A, %cond3A_109 : i32
      %cond3A_111 = scf.if %cond3A_110 -> (vector<16xf32>) {
        %masked_sort3A = arith.constant dense<true> : vector<16xi1>
        %masked_sort3A_112, %masked_sort3A_113, %masked_sort3A_114 = tpu.sort %abs3A, %abs3A masked %masked_sort3A {descending = true} : (vector<16xf32>, vector<16xf32>, vector<16xi1>) -> (vector<16xi1>, vector<16xf32>, vector<16xf32>)
        %max3A = arith.maximumf %scan3A_97, %masked_sort3A_113 : vector<16xf32>
        %masked_sort3A_115 = arith.constant dense<true> : vector<16xi1>
        %masked_sort3A_116, %masked_sort3A_117, %masked_sort3A_118 = tpu.sort %max3A, %max3A masked %masked_sort3A_115 : (vector<16xf32>, vector<16xf32>, vector<16xi1>) -> (vector<16xi1>, vector<16xf32>, vector<16xf32>)
        scf.yield %masked_sort3A_117 : vector<16xf32>
      } else {
        scf.yield %scan3A_97 : vector<16xf32>
      }
      scf.yield %cond3A_111 : vector<16xf32>
    }
    %scan3A_43 = arith.constant 256 : i32
    %swap3A_44 = arith.constant 3 : i32
    %swap3A_45 = arith.index_cast %swap3A_44 : i32 to index
    %swap3A_46 = arith.constant 0 : index
    %swap3A_47 = tpu.vector_load %arg5[%swap3A_45, %swap3A_46] {strides = array<i32>} : memref<8x16xf32, #tpu.memory_space<vmem>>, vector<16xf32>,
    tpu.vector_store %arg5[%swap3A_45, %swap3A_46], %scan3A_42 {strides = array<i32>} : memref<8x16xf32, #tpu.memory_space<vmem>>, vector<16xf32>,
    %broadcast_in_dim3A_48 = arith.constant -1.000000e+00 : f32
    %broadcast_in_dim3A_49 = vector.broadcast %broadcast_in_dim3A_48 : f32 to vector<16xf32>
    %scan3A_50 = arith.constant 0 : i32
    %scan3A_51 = arith.constant 256 : i32
    %scan3A_52 = arith.addi %scan3A_50, %scan3A_51 : i32
    %scan3A_53 = arith.constant 1 : i32
    %scan3A_54 = scf.for %scan3A_96 = %scan3A_50 to %scan3A_52 step %scan3A_53 iter_args(%scan3A_97 = %broadcast_in_dim3A_49) -> (vector<16xf32>)  : i32 {
      %mul3A_98 = arith.constant 16 : i32
      %mul3A_99 = arith.muli %scan3A_96, %mul3A_98 : i32
      %get3A = arith.constant 4 : i32
      %get3A_100 = arith.index_cast %get3A : i32 to index
      %get3A_101 = arith.index_cast %mul3A_99 : i32 to index
      %get3A_102 = tpu.vector_load %arg4[%get3A_100, %get3A_101] {strides = array<i32>} : memref<8x4096xf32, #tpu.memory_space<vmem>>, vector<16xf32>,
      %abs3A = math.absf %get3A_102 : vector<16xf32>
      %reduce_max3A = arith.constant true
      %reduce_max3A_103 = vector.broadcast %reduce_max3A : i1 to vector<16xi1>
      %reduce_max3A_104 = tpu.scan <max>, %abs3A masked %reduce_max3A_103 : vector<16xf32>, vector<16xi1> -> vector<16xf32>
      %reduce_max3A_105 = vector.extract %reduce_max3A_104[15] : f32 from vector<16xf32>
      %reduce_min3A = arith.constant true
      %reduce_min3A_106 = vector.broadcast %reduce_min3A : i1 to vector<16xi1>
      %reduce_min3A_107 = tpu.scan <min>, %scan3A_97 masked %reduce_min3A_106 : vector<16xf32>, vector<16xi1> -> vector<16xf32>
      %reduce_min3A_108 = vector.extract %reduce_min3A_107[15] : f32 from vector<16xf32>
      %gt3A = arith.cmpf ogt, %reduce_max3A_105, %reduce_min3A_108 : f32
      %convert_element_type3A = arith.extui %gt3A : i1 to i32
      %cond3A = arith.constant 0 : i32
      %cond3A_109 = arith.constant 0 : i32
      %cond3A_110 = arith.cmpi ne, %convert_element_type3A, %cond3A_109 : i32
      %cond3A_111 = scf.if %cond3A_110 -> (vector<16xf32>) {
        %masked_sort3A = arith.constant dense<true> : vector<16xi1>
        %masked_sort3A_112, %masked_sort3A_113, %masked_sort3A_114 = tpu.sort %abs3A, %abs3A masked %masked_sort3A {descending = true} : (vector<16xf32>, vector<16xf32>, vector<16xi1>) -> (vector<16xi1>, vector<16xf32>, vector<16xf32>)
        %max3A = arith.maximumf %scan3A_97, %masked_sort3A_113 : vector<16xf32>
        %masked_sort3A_115 = arith.constant dense<true> : vector<16xi1>
        %masked_sort3A_116, %masked_sort3A_117, %masked_sort3A_118 = tpu.sort %max3A, %max3A masked %masked_sort3A_115 : (vector<16xf32>, vector<16xf32>, vector<16xi1>) -> (vector<16xi1>, vector<16xf32>, vector<16xf32>)
        scf.yield %masked_sort3A_117 : vector<16xf32>
      } else {
        scf.yield %scan3A_97 : vector<16xf32>
      }
      scf.yield %cond3A_111 : vector<16xf32>
    }
    %scan3A_55 = arith.constant 256 : i32
    %swap3A_56 = arith.constant 4 : i32
    %swap3A_57 = arith.index_cast %swap3A_56 : i32 to index
    %swap3A_58 = arith.constant 0 : index
    %swap3A_59 = tpu.vector_load %arg5[%swap3A_57, %swap3A_58] {strides = array<i32>} : memref<8x16xf32, #tpu.memory_space<vmem>>, vector<16xf32>,
    tpu.vector_store %arg5[%swap3A_57, %swap3A_58], %scan3A_54 {strides = array<i32>} : memref<8x16xf32, #tpu.memory_space<vmem>>, vector<16xf32>,
    %broadcast_in_dim3A_60 = arith.constant -1.000000e+00 : f32
    %broadcast_in_dim3A_61 = vector.broadcast %broadcast_in_dim3A_60 : f32 to vector<16xf32>
    %scan3A_62 = arith.constant 0 : i32
    %scan3A_63 = arith.constant 256 : i32
    %scan3A_64 = arith.addi %scan3A_62, %scan3A_63 : i32
    %scan3A_65 = arith.constant 1 : i32
    %scan3A_66 = scf.for %scan3A_96 = %scan3A_62 to %scan3A_64 step %scan3A_65 iter_args(%scan3A_97 = %broadcast_in_dim3A_61) -> (vector<16xf32>)  : i32 {
      %mul3A_98 = arith.constant 16 : i32
      %mul3A_99 = arith.muli %scan3A_96, %mul3A_98 : i32
      %get3A = arith.constant 5 : i32
      %get3A_100 = arith.index_cast %get3A : i32 to index
      %get3A_101 = arith.index_cast %mul3A_99 : i32 to index
      %get3A_102 = tpu.vector_load %arg4[%get3A_100, %get3A_101] {strides = array<i32>} : memref<8x4096xf32, #tpu.memory_space<vmem>>, vector<16xf32>,
      %abs3A = math.absf %get3A_102 : vector<16xf32>
      %reduce_max3A = arith.constant true
      %reduce_max3A_103 = vector.broadcast %reduce_max3A : i1 to vector<16xi1>
      %reduce_max3A_104 = tpu.scan <max>, %abs3A masked %reduce_max3A_103 : vector<16xf32>, vector<16xi1> -> vector<16xf32>
      %reduce_max3A_105 = vector.extract %reduce_max3A_104[15] : f32 from vector<16xf32>
      %reduce_min3A = arith.constant true
      %reduce_min3A_106 = vector.broadcast %reduce_min3A : i1 to vector<16xi1>
      %reduce_min3A_107 = tpu.scan <min>, %scan3A_97 masked %reduce_min3A_106 : vector<16xf32>, vector<16xi1> -> vector<16xf32>
      %reduce_min3A_108 = vector.extract %reduce_min3A_107[15] : f32 from vector<16xf32>
      %gt3A = arith.cmpf ogt, %reduce_max3A_105, %reduce_min3A_108 : f32
      %convert_element_type3A = arith.extui %gt3A : i1 to i32
      %cond3A = arith.constant 0 : i32
      %cond3A_109 = arith.constant 0 : i32
      %cond3A_110 = arith.cmpi ne, %convert_element_type3A, %cond3A_109 : i32
      %cond3A_111 = scf.if %cond3A_110 -> (vector<16xf32>) {
        %masked_sort3A = arith.constant dense<true> : vector<16xi1>
        %masked_sort3A_112, %masked_sort3A_113, %masked_sort3A_114 = tpu.sort %abs3A, %abs3A masked %masked_sort3A {descending = true} : (vector<16xf32>, vector<16xf32>, vector<16xi1>) -> (vector<16xi1>, vector<16xf32>, vector<16xf32>)
        %max3A = arith.maximumf %scan3A_97, %masked_sort3A_113 : vector<16xf32>
        %masked_sort3A_115 = arith.constant dense<true> : vector<16xi1>
        %masked_sort3A_116, %masked_sort3A_117, %masked_sort3A_118 = tpu.sort %max3A, %max3A masked %masked_sort3A_115 : (vector<16xf32>, vector<16xf32>, vector<16xi1>) -> (vector<16xi1>, vector<16xf32>, vector<16xf32>)
        scf.yield %masked_sort3A_117 : vector<16xf32>
      } else {
        scf.yield %scan3A_97 : vector<16xf32>
      }
      scf.yield %cond3A_111 : vector<16xf32>
    }
    %scan3A_67 = arith.constant 256 : i32
    %swap3A_68 = arith.constant 5 : i32
    %swap3A_69 = arith.index_cast %swap3A_68 : i32 to index
    %swap3A_70 = arith.constant 0 : index
    %swap3A_71 = tpu.vector_load %arg5[%swap3A_69, %swap3A_70] {strides = array<i32>} : memref<8x16xf32, #tpu.memory_space<vmem>>, vector<16xf32>,
    tpu.vector_store %arg5[%swap3A_69, %swap3A_70], %scan3A_66 {strides = array<i32>} : memref<8x16xf32, #tpu.memory_space<vmem>>, vector<16xf32>,
    %broadcast_in_dim3A_72 = arith.constant -1.000000e+00 : f32
    %broadcast_in_dim3A_73 = vector.broadcast %broadcast_in_dim3A_72 : f32 to vector<16xf32>
    %scan3A_74 = arith.constant 0 : i32
    %scan3A_75 = arith.constant 256 : i32
    %scan3A_76 = arith.addi %scan3A_74, %scan3A_75 : i32
    %scan3A_77 = arith.constant 1 : i32
    %scan3A_78 = scf.for %scan3A_96 = %scan3A_74 to %scan3A_76 step %scan3A_77 iter_args(%scan3A_97 = %broadcast_in_dim3A_73) -> (vector<16xf32>)  : i32 {
      %mul3A_98 = arith.constant 16 : i32
      %mul3A_99 = arith.muli %scan3A_96, %mul3A_98 : i32
      %get3A = arith.constant 6 : i32
      %get3A_100 = arith.index_cast %get3A : i32 to index
      %get3A_101 = arith.index_cast %mul3A_99 : i32 to index
      %get3A_102 = tpu.vector_load %arg4[%get3A_100, %get3A_101] {strides = array<i32>} : memref<8x4096xf32, #tpu.memory_space<vmem>>, vector<16xf32>,
      %abs3A = math.absf %get3A_102 : vector<16xf32>
      %reduce_max3A = arith.constant true
      %reduce_max3A_103 = vector.broadcast %reduce_max3A : i1 to vector<16xi1>
      %reduce_max3A_104 = tpu.scan <max>, %abs3A masked %reduce_max3A_103 : vector<16xf32>, vector<16xi1> -> vector<16xf32>
      %reduce_max3A_105 = vector.extract %reduce_max3A_104[15] : f32 from vector<16xf32>
      %reduce_min3A = arith.constant true
      %reduce_min3A_106 = vector.broadcast %reduce_min3A : i1 to vector<16xi1>
      %reduce_min3A_107 = tpu.scan <min>, %scan3A_97 masked %reduce_min3A_106 : vector<16xf32>, vector<16xi1> -> vector<16xf32>
      %reduce_min3A_108 = vector.extract %reduce_min3A_107[15] : f32 from vector<16xf32>
      %gt3A = arith.cmpf ogt, %reduce_max3A_105, %reduce_min3A_108 : f32
      %convert_element_type3A = arith.extui %gt3A : i1 to i32
      %cond3A = arith.constant 0 : i32
      %cond3A_109 = arith.constant 0 : i32
      %cond3A_110 = arith.cmpi ne, %convert_element_type3A, %cond3A_109 : i32
      %cond3A_111 = scf.if %cond3A_110 -> (vector<16xf32>) {
        %masked_sort3A = arith.constant dense<true> : vector<16xi1>
        %masked_sort3A_112, %masked_sort3A_113, %masked_sort3A_114 = tpu.sort %abs3A, %abs3A masked %masked_sort3A {descending = true} : (vector<16xf32>, vector<16xf32>, vector<16xi1>) -> (vector<16xi1>, vector<16xf32>, vector<16xf32>)
        %max3A = arith.maximumf %scan3A_97, %masked_sort3A_113 : vector<16xf32>
        %masked_sort3A_115 = arith.constant dense<true> : vector<16xi1>
        %masked_sort3A_116, %masked_sort3A_117, %masked_sort3A_118 = tpu.sort %max3A, %max3A masked %masked_sort3A_115 : (vector<16xf32>, vector<16xf32>, vector<16xi1>) -> (vector<16xi1>, vector<16xf32>, vector<16xf32>)
        scf.yield %masked_sort3A_117 : vector<16xf32>
      } else {
        scf.yield %scan3A_97 : vector<16xf32>
      }
      scf.yield %cond3A_111 : vector<16xf32>
    }
    %scan3A_79 = arith.constant 256 : i32
    %swap3A_80 = arith.constant 6 : i32
    %swap3A_81 = arith.index_cast %swap3A_80 : i32 to index
    %swap3A_82 = arith.constant 0 : index
    %swap3A_83 = tpu.vector_load %arg5[%swap3A_81, %swap3A_82] {strides = array<i32>} : memref<8x16xf32, #tpu.memory_space<vmem>>, vector<16xf32>,
    tpu.vector_store %arg5[%swap3A_81, %swap3A_82], %scan3A_78 {strides = array<i32>} : memref<8x16xf32, #tpu.memory_space<vmem>>, vector<16xf32>,
    %broadcast_in_dim3A_84 = arith.constant -1.000000e+00 : f32
    %broadcast_in_dim3A_85 = vector.broadcast %broadcast_in_dim3A_84 : f32 to vector<16xf32>
    %scan3A_86 = arith.constant 0 : i32
    %scan3A_87 = arith.constant 256 : i32
    %scan3A_88 = arith.addi %scan3A_86, %scan3A_87 : i32
    %scan3A_89 = arith.constant 1 : i32
    %scan3A_90 = scf.for %scan3A_96 = %scan3A_86 to %scan3A_88 step %scan3A_89 iter_args(%scan3A_97 = %broadcast_in_dim3A_85) -> (vector<16xf32>)  : i32 {
      %mul3A_98 = arith.constant 16 : i32
      %mul3A_99 = arith.muli %scan3A_96, %mul3A_98 : i32
      %get3A = arith.constant 7 : i32
      %get3A_100 = arith.index_cast %get3A : i32 to index
      %get3A_101 = arith.index_cast %mul3A_99 : i32 to index
      %get3A_102 = tpu.vector_load %arg4[%get3A_100, %get3A_101] {strides = array<i32>} : memref<8x4096xf32, #tpu.memory_space<vmem>>, vector<16xf32>,
      %abs3A = math.absf %get3A_102 : vector<16xf32>
      %reduce_max3A = arith.constant true
      %reduce_max3A_103 = vector.broadcast %reduce_max3A : i1 to vector<16xi1>
      %reduce_max3A_104 = tpu.scan <max>, %abs3A masked %reduce_max3A_103 : vector<16xf32>, vector<16xi1> -> vector<16xf32>
      %reduce_max3A_105 = vector.extract %reduce_max3A_104[15] : f32 from vector<16xf32>
      %reduce_min3A = arith.constant true
      %reduce_min3A_106 = vector.broadcast %reduce_min3A : i1 to vector<16xi1>
      %reduce_min3A_107 = tpu.scan <min>, %scan3A_97 masked %reduce_min3A_106 : vector<16xf32>, vector<16xi1> -> vector<16xf32>
      %reduce_min3A_108 = vector.extract %reduce_min3A_107[15] : f32 from vector<16xf32>
      %gt3A = arith.cmpf ogt, %reduce_max3A_105, %reduce_min3A_108 : f32
      %convert_element_type3A = arith.extui %gt3A : i1 to i32
      %cond3A = arith.constant 0 : i32
      %cond3A_109 = arith.constant 0 : i32
      %cond3A_110 = arith.cmpi ne, %convert_element_type3A, %cond3A_109 : i32
      %cond3A_111 = scf.if %cond3A_110 -> (vector<16xf32>) {
        %masked_sort3A = arith.constant dense<true> : vector<16xi1>
        %masked_sort3A_112, %masked_sort3A_113, %masked_sort3A_114 = tpu.sort %abs3A, %abs3A masked %masked_sort3A {descending = true} : (vector<16xf32>, vector<16xf32>, vector<16xi1>) -> (vector<16xi1>, vector<16xf32>, vector<16xf32>)
        %max3A = arith.maximumf %scan3A_97, %masked_sort3A_113 : vector<16xf32>
        %masked_sort3A_115 = arith.constant dense<true> : vector<16xi1>
        %masked_sort3A_116, %masked_sort3A_117, %masked_sort3A_118 = tpu.sort %max3A, %max3A masked %masked_sort3A_115 : (vector<16xf32>, vector<16xf32>, vector<16xi1>) -> (vector<16xi1>, vector<16xf32>, vector<16xf32>)
        scf.yield %masked_sort3A_117 : vector<16xf32>
      } else {
        scf.yield %scan3A_97 : vector<16xf32>
      }
      scf.yield %cond3A_111 : vector<16xf32>
    }
    %scan3A_91 = arith.constant 256 : i32
    %swap3A_92 = arith.constant 7 : i32
    %swap3A_93 = arith.index_cast %swap3A_92 : i32 to index
    %swap3A_94 = arith.constant 0 : index
    %swap3A_95 = tpu.vector_load %arg5[%swap3A_93, %swap3A_94] {strides = array<i32>} : memref<8x16xf32, #tpu.memory_space<vmem>>, vector<16xf32>,
    tpu.vector_store %arg5[%swap3A_93, %swap3A_94], %scan3A_90 {strides = array<i32>} : memref<8x16xf32, #tpu.memory_space<vmem>>, vector<16xf32>,
    "tpu.region"() ({
      %run_scoped3A = tpu.sem_alloc : memref<!tpu.dma_semaphore, #tpu.memory_space<semaphore_mem>>
      %dma_start3A = arith.constant 0 : i32
      %dma_start3A_96 = tpu.memref_slice %arg3[%mul3A_2, %dma_start3A] : memref<256x16xf32, #tpu.memory_space<hbm>> -> memref<8x16xf32, #tpu.memory_space<hbm>>
      %dma_start3A_97 = arith.constant 0 : i32
      %dma_start3A_98 = tpu.memref_slice %arg3[%mul3A_2, %dma_start3A_97] : memref<256x16xf32, #tpu.memory_space<hbm>> -> memref<8x16xf32, #tpu.memory_space<hbm>>
      tpu.enqueue_dma source(%arg5 : memref<8x16xf32, #tpu.memory_space<vmem>>) target(%dma_start3A_98 : memref<8x16xf32, #tpu.memory_space<hbm>>) target_semaphore(%run_scoped3A : memref<!tpu.dma_semaphore, #tpu.memory_space<semaphore_mem>>)
      %dma_wait3A = arith.constant 0 : i32
      %dma_wait3A_99 = tpu.memref_slice %arg3[%mul3A_2, %dma_wait3A] : memref<256x16xf32, #tpu.memory_space<hbm>> -> memref<8x16xf32, #tpu.memory_space<hbm>>
      %dma_wait3A_100 = arith.constant 0 : i32
      %dma_wait3A_101 = tpu.memref_slice %arg3[%mul3A_2, %dma_wait3A_100] : memref<256x16xf32, #tpu.memory_space<hbm>> -> memref<8x16xf32, #tpu.memory_space<hbm>>
      tpu.wait_dma2 semaphore(%run_scoped3A : memref<!tpu.dma_semaphore, #tpu.memory_space<semaphore_mem>>) src(%arg5 : memref<8x16xf32, #tpu.memory_space<vmem>>) dst(%dma_wait3A_101 : memref<8x16xf32, #tpu.memory_space<hbm>>)
      tpu.yield
    }) : () -> ()
    return
  }
}

module attributes {stable_mosaic.version = 14 : i64} {
  func.func @_encoder_tail_kernel(%arg0: memref<256x4096xf32, #tpu.memory_space<vmem>>, %arg1: memref<256x4096xf32, #tpu.memory_space<vmem>>, %arg2: memref<256x16xf32, #tpu.memory_space<vmem>>, %arg3: memref<256x256xf32, #tpu.memory_space<vmem>>, %arg4: memref<256x1xf32, #tpu.memory_space<vmem>>, %arg5: memref<256x1xf32, #tpu.memory_space<vmem>>, %arg6: memref<256x1xf32, #tpu.memory_space<vmem>>, %arg7: memref<16384x64xf32, #tpu.memory_space<vmem>>) attributes {dimension_semantics = [], scalar_prefetch = 0 : i64, scratch_operands = 0 : i64, tpu.core_type = #tpu.core_type<tc>} {
    %get3A = arith.constant 0 : index
    %get3A_0 = arith.constant 0 : index
    %get3A_1 = vector.load %arg0[%get3A, %get3A_0] : memref<256x4096xf32, #tpu.memory_space<vmem>>, vector<256x4096xf32>
    %abs3A = math.absf %get3A_1 : vector<256x4096xf32>
    %get3A_2 = arith.constant 0 : index
    %get3A_3 = arith.constant 0 : index
    %get3A_4 = vector.load %arg2[%get3A_2, %get3A_3] : memref<256x16xf32, #tpu.memory_space<vmem>>, vector<256x1xf32>
    %iota3A = tpu.iota {dimensions = array<i32: 1>} : vector<256x4096xi32>
    %gt3A = vector.broadcast %get3A_4 : vector<256x1xf32> to vector<256x4096xf32>
    %gt3A_5 = arith.cmpf ogt, %abs3A, %gt3A : vector<256x4096xf32>
    %convert_element_type3A = arith.extui %gt3A_5 : vector<256x4096xi1> to vector<256x4096xi32>
    %reduce_sum3A = arith.constant dense<0> : vector<256xi32>
    %reduce_sum3A_6 = vector.multi_reduction <add>, %convert_element_type3A, %reduce_sum3A [1] : vector<256x4096xi32> to vector<256xi32>
    %sub3A = arith.constant 16 : i32
    %sub3A_7 = vector.broadcast %sub3A : i32 to vector<256xi32>
    %sub3A_8 = arith.subi %sub3A_7, %reduce_sum3A_6 : vector<256xi32>
    %eq3A = vector.broadcast %get3A_4 : vector<256x1xf32> to vector<256x4096xf32>
    %eq3A_9 = arith.cmpf oeq, %abs3A, %eq3A : vector<256x4096xf32>
    %jit3A = arith.constant 4096 : i32
    %broadcast_in_dim3A = vector.broadcast %jit3A : i32 to vector<256x4096xi32>
    %select_n3A = arith.select %eq3A_9, %iota3A, %broadcast_in_dim3A : vector<256x4096xi1>, vector<256x4096xi32>
    %reduce_min3A = arith.constant dense<2147483647> : vector<256xi32>
    %reduce_min3A_10 = vector.multi_reduction <minsi>, %select_n3A, %reduce_min3A [1] : vector<256x4096xi32> to vector<256xi32>
    %broadcast_in_dim3A_11 = vector.shape_cast %reduce_min3A_10 : vector<256xi32> to vector<256x1xi32>
    %eq3A_12 = vector.broadcast %broadcast_in_dim3A_11 : vector<256x1xi32> to vector<256x4096xi32>
    %eq3A_13 = arith.cmpi eq, %iota3A, %eq3A_12 : vector<256x4096xi32>
    %gt3A_14 = arith.constant 0 : i32
    %gt3A_15 = vector.broadcast %gt3A_14 : i32 to vector<256xi32>
    %gt3A_16 = arith.cmpi sgt, %sub3A_8, %gt3A_15 : vector<256xi32>
    %broadcast_in_dim3A_17 = vector.shape_cast %gt3A_16 : vector<256xi1> to vector<256x1xi1>
    %and3A = vector.broadcast %broadcast_in_dim3A_17 : vector<256x1xi1> to vector<256x4096xi1>
    %and3A_18 = arith.andi %eq3A_13, %and3A : vector<256x4096xi1>
    %or3A = arith.ori %gt3A_5, %and3A_18 : vector<256x4096xi1>
    %broadcast_in_dim3A_19 = vector.shape_cast %reduce_min3A_10 : vector<256xi32> to vector<256x1xi32>
    %eq3A_20 = vector.broadcast %broadcast_in_dim3A_19 : vector<256x1xi32> to vector<256x4096xi32>
    %eq3A_21 = arith.cmpi eq, %iota3A, %eq3A_20 : vector<256x4096xi32>
    %jit3A_22 = arith.constant 4096 : i32
    %broadcast_in_dim3A_23 = vector.broadcast %jit3A_22 : i32 to vector<256x4096xi32>
    %select_n3A_24 = arith.select %eq3A_21, %broadcast_in_dim3A_23, %select_n3A : vector<256x4096xi1>, vector<256x4096xi32>
    %reduce_min3A_25 = arith.constant dense<2147483647> : vector<256xi32>
    %reduce_min3A_26 = vector.multi_reduction <minsi>, %select_n3A_24, %reduce_min3A_25 [1] : vector<256x4096xi32> to vector<256xi32>
    %broadcast_in_dim3A_27 = vector.shape_cast %reduce_min3A_26 : vector<256xi32> to vector<256x1xi32>
    %eq3A_28 = vector.broadcast %broadcast_in_dim3A_27 : vector<256x1xi32> to vector<256x4096xi32>
    %eq3A_29 = arith.cmpi eq, %iota3A, %eq3A_28 : vector<256x4096xi32>
    %gt3A_30 = arith.constant 1 : i32
    %gt3A_31 = vector.broadcast %gt3A_30 : i32 to vector<256xi32>
    %gt3A_32 = arith.cmpi sgt, %sub3A_8, %gt3A_31 : vector<256xi32>
    %broadcast_in_dim3A_33 = vector.shape_cast %gt3A_32 : vector<256xi1> to vector<256x1xi1>
    %and3A_34 = vector.broadcast %broadcast_in_dim3A_33 : vector<256x1xi1> to vector<256x4096xi1>
    %and3A_35 = arith.andi %eq3A_29, %and3A_34 : vector<256x4096xi1>
    %or3A_36 = arith.ori %or3A, %and3A_35 : vector<256x4096xi1>
    %broadcast_in_dim3A_37 = vector.shape_cast %reduce_min3A_26 : vector<256xi32> to vector<256x1xi32>
    %eq3A_38 = vector.broadcast %broadcast_in_dim3A_37 : vector<256x1xi32> to vector<256x4096xi32>
    %eq3A_39 = arith.cmpi eq, %iota3A, %eq3A_38 : vector<256x4096xi32>
    %jit3A_40 = arith.constant 4096 : i32
    %broadcast_in_dim3A_41 = vector.broadcast %jit3A_40 : i32 to vector<256x4096xi32>
    %select_n3A_42 = arith.select %eq3A_39, %broadcast_in_dim3A_41, %select_n3A_24 : vector<256x4096xi1>, vector<256x4096xi32>
    %reduce_min3A_43 = arith.constant dense<2147483647> : vector<256xi32>
    %reduce_min3A_44 = vector.multi_reduction <minsi>, %select_n3A_42, %reduce_min3A_43 [1] : vector<256x4096xi32> to vector<256xi32>
    %broadcast_in_dim3A_45 = vector.shape_cast %reduce_min3A_44 : vector<256xi32> to vector<256x1xi32>
    %eq3A_46 = vector.broadcast %broadcast_in_dim3A_45 : vector<256x1xi32> to vector<256x4096xi32>
    %eq3A_47 = arith.cmpi eq, %iota3A, %eq3A_46 : vector<256x4096xi32>
    %gt3A_48 = arith.constant 2 : i32
    %gt3A_49 = vector.broadcast %gt3A_48 : i32 to vector<256xi32>
    %gt3A_50 = arith.cmpi sgt, %sub3A_8, %gt3A_49 : vector<256xi32>
    %broadcast_in_dim3A_51 = vector.shape_cast %gt3A_50 : vector<256xi1> to vector<256x1xi1>
    %and3A_52 = vector.broadcast %broadcast_in_dim3A_51 : vector<256x1xi1> to vector<256x4096xi1>
    %and3A_53 = arith.andi %eq3A_47, %and3A_52 : vector<256x4096xi1>
    %or3A_54 = arith.ori %or3A_36, %and3A_53 : vector<256x4096xi1>
    %jit3A_55 = arith.constant 0.000000e+00 : f32
    %broadcast_in_dim3A_56 = vector.broadcast %jit3A_55 : f32 to vector<256x4096xf32>
    %select_n3A_57 = arith.select %or3A_54, %get3A_1, %broadcast_in_dim3A_56 : vector<256x4096xi1>, vector<256x4096xf32>
    %get3A_58 = arith.constant 0 : index
    %get3A_59 = arith.constant 0 : index
    %get3A_60 = vector.load %arg3[%get3A_58, %get3A_59] : memref<256x256xf32, #tpu.memory_space<vmem>>, vector<256x256xf32>
    %dot_general3A = arith.constant dense<0.000000e+00> : vector<256x4096xf32>
    %dot_general3A_61 = tpu.matmul %get3A_60, %select_n3A_57, %dot_general3A {dimension_numbers = #tpu.dot_dimension_numbers<[0], [0], [1], [1], [0, 1, 1, 1], [], []>, precision = #tpu.contract_precision<fp32>, transpose_lhs_hint = false} : vector<256x256xf32>, vector<256x4096xf32>, vector<256x4096xf32> -> vector<256x4096xf32>
    %get3A_62 = arith.constant 0 : index
    %get3A_63 = arith.constant 0 : index
    %get3A_64 = vector.load %arg1[%get3A_62, %get3A_63] : memref<256x4096xf32, #tpu.memory_space<vmem>>, vector<256x4096xf32>
    %add3A = arith.addf %get3A_64, %dot_general3A_61 : vector<256x4096xf32>
    %get3A_65 = arith.constant 0 : index
    %get3A_66 = arith.constant 0 : index
    %get3A_67 = vector.load %arg4[%get3A_65, %get3A_66] : memref<256x1xf32, #tpu.memory_space<vmem>>, vector<256x1xf32>
    %add3A_68 = vector.broadcast %get3A_67 : vector<256x1xf32> to vector<256x4096xf32>
    %add3A_69 = arith.addf %add3A, %add3A_68 : vector<256x4096xf32>
    %reshape3A = vector.shape_cast %add3A_69 : vector<256x4096xf32> to vector<4x64x4096xf32>
    %reduce_sum3A_70 = arith.constant dense<0.000000e+00> : vector<4x4096xf32>
    %reduce_sum3A_71 = vector.multi_reduction <add>, %reshape3A, %reduce_sum3A_70 [1] : vector<4x64x4096xf32> to vector<4x4096xf32>
    %broadcast_in_dim3A_72 = vector.shape_cast %reduce_sum3A_71 : vector<4x4096xf32> to vector<4x1x4096xf32>
    %div3A = arith.constant 6.400000e+01 : f32
    %div3A_73 = vector.broadcast %div3A : f32 to vector<4x1x4096xf32>
    %div3A_74 = arith.divf %broadcast_in_dim3A_72, %div3A_73 : vector<4x1x4096xf32>
    %sub3A_75 = vector.broadcast %div3A_74 : vector<4x1x4096xf32> to vector<4x64x4096xf32>
    %sub3A_76 = arith.subf %reshape3A, %sub3A_75 : vector<4x64x4096xf32>
    %mul3A = arith.mulf %sub3A_76, %sub3A_76 : vector<4x64x4096xf32>
    %reduce_sum3A_77 = arith.constant dense<0.000000e+00> : vector<4x4096xf32>
    %reduce_sum3A_78 = vector.multi_reduction <add>, %mul3A, %reduce_sum3A_77 [1] : vector<4x64x4096xf32> to vector<4x4096xf32>
    %broadcast_in_dim3A_79 = vector.shape_cast %reduce_sum3A_78 : vector<4x4096xf32> to vector<4x1x4096xf32>
    %div3A_80 = arith.constant 6.400000e+01 : f32
    %div3A_81 = vector.broadcast %div3A_80 : f32 to vector<4x1x4096xf32>
    %div3A_82 = arith.divf %broadcast_in_dim3A_79, %div3A_81 : vector<4x1x4096xf32>
    %add3A_83 = arith.constant 9.99999997E-7 : f32
    %add3A_84 = vector.broadcast %add3A_83 : f32 to vector<4x1x4096xf32>
    %add3A_85 = arith.addf %div3A_82, %add3A_84 : vector<4x1x4096xf32>
    %rsqrt3A = math.rsqrt %add3A_85 : vector<4x1x4096xf32>
    %mul3A_86 = vector.broadcast %rsqrt3A : vector<4x1x4096xf32> to vector<4x64x4096xf32>
    %mul3A_87 = arith.mulf %sub3A_76, %mul3A_86 : vector<4x64x4096xf32>
    %reshape3A_88 = vector.shape_cast %mul3A_87 : vector<4x64x4096xf32> to vector<256x4096xf32>
    %get3A_89 = arith.constant 0 : index
    %get3A_90 = arith.constant 0 : index
    %get3A_91 = vector.load %arg5[%get3A_89, %get3A_90] : memref<256x1xf32, #tpu.memory_space<vmem>>, vector<256x1xf32>
    %mul3A_92 = vector.broadcast %get3A_91 : vector<256x1xf32> to vector<256x4096xf32>
    %mul3A_93 = arith.mulf %reshape3A_88, %mul3A_92 : vector<256x4096xf32>
    %get3A_94 = arith.constant 0 : index
    %get3A_95 = arith.constant 0 : index
    %get3A_96 = vector.load %arg6[%get3A_94, %get3A_95] : memref<256x1xf32, #tpu.memory_space<vmem>>, vector<256x1xf32>
    %add3A_97 = vector.broadcast %get3A_96 : vector<256x1xf32> to vector<256x4096xf32>
    %add3A_98 = arith.addf %mul3A_93, %add3A_97 : vector<256x4096xf32>
    %slice3A = vector.extract_strided_slice %add3A_98 {offsets = [0, 0], sizes = [64, 4096], strides = [1, 1]} : vector<256x4096xf32> to vector<64x4096xf32>
    %transpose3A = tpu.transpose %slice3A, [1, 0] : vector<64x4096xf32> -> vector<4096x64xf32>
    %swap3A = arith.constant 0 : index
    %swap3A_99 = arith.constant 0 : index
    %swap3A_100 = vector.load %arg7[%swap3A, %swap3A_99] : memref<16384x64xf32, #tpu.memory_space<vmem>>, vector<4096x64xf32>
    tpu.vector_store %arg7[%swap3A, %swap3A_99], %transpose3A {strides = array<i32>} : memref<16384x64xf32, #tpu.memory_space<vmem>>, vector<4096x64xf32>,
    %slice3A_101 = vector.extract_strided_slice %add3A_98 {offsets = [64, 0], sizes = [64, 4096], strides = [1, 1]} : vector<256x4096xf32> to vector<64x4096xf32>
    %transpose3A_102 = tpu.transpose %slice3A_101, [1, 0] : vector<64x4096xf32> -> vector<4096x64xf32>
    %swap3A_103 = arith.constant 4096 : index
    %swap3A_104 = arith.constant 0 : index
    %swap3A_105 = vector.load %arg7[%swap3A_103, %swap3A_104] : memref<16384x64xf32, #tpu.memory_space<vmem>>, vector<4096x64xf32>
    tpu.vector_store %arg7[%swap3A_103, %swap3A_104], %transpose3A_102 {strides = array<i32>} : memref<16384x64xf32, #tpu.memory_space<vmem>>, vector<4096x64xf32>,
    %slice3A_106 = vector.extract_strided_slice %add3A_98 {offsets = [128, 0], sizes = [64, 4096], strides = [1, 1]} : vector<256x4096xf32> to vector<64x4096xf32>
    %transpose3A_107 = tpu.transpose %slice3A_106, [1, 0] : vector<64x4096xf32> -> vector<4096x64xf32>
    %swap3A_108 = arith.constant 8192 : index
    %swap3A_109 = arith.constant 0 : index
    %swap3A_110 = vector.load %arg7[%swap3A_108, %swap3A_109] : memref<16384x64xf32, #tpu.memory_space<vmem>>, vector<4096x64xf32>
    tpu.vector_store %arg7[%swap3A_108, %swap3A_109], %transpose3A_107 {strides = array<i32>} : memref<16384x64xf32, #tpu.memory_space<vmem>>, vector<4096x64xf32>,
    %slice3A_111 = vector.extract_strided_slice %add3A_98 {offsets = [192, 0], sizes = [64, 4096], strides = [1, 1]} : vector<256x4096xf32> to vector<64x4096xf32>
    %transpose3A_112 = tpu.transpose %slice3A_111, [1, 0] : vector<64x4096xf32> -> vector<4096x64xf32>
    %swap3A_113 = arith.constant 12288 : index
    %swap3A_114 = arith.constant 0 : index
    %swap3A_115 = vector.load %arg7[%swap3A_113, %swap3A_114] : memref<16384x64xf32, #tpu.memory_space<vmem>>, vector<4096x64xf32>
    tpu.vector_store %arg7[%swap3A_113, %swap3A_114], %transpose3A_112 {strides = array<i32>} : memref<16384x64xf32, #tpu.memory_space<vmem>>, vector<4096x64xf32>,
    return
  }
}

</mosaic_0001>

<sc_bundles>
// kernel: kernel.4.cloned.1.call-start
scs
__scs_entry_jumppad:
0x0: {  	(pc) =	sbr.rel $0x88, $3  }
0x1: {  	(tag) =	ssettag $0x0;
	lr =	simm.s32 $0x1  }
0x2: {  	[smem:$0x3F9B] =	sst lr;
	_ =	strace $0xD0000000  }
0x3: {  	_ = 	snop  }
0x4: {  	_ = 	snop  }
0x5: {  	_ = 	snop  }
0x6: {  	_ = 	snop  }
0x7: {  	_ = 	snop  }
__scs_overlays_trampoline_lowered:
0x8: {  	[smem:$0x3FAA] =	sst s0  }
0x9: {  	[smem:$0x3FAB] =	sst s1  }
0xa: {  	[smem:$0x3FAC] =	sst s2  }
0xb: {  	[smem:$0x3FAD] =	sst s3  }
0xc: {  	[smem:$0x3FAE] =	sst s4  }
0xd: {  	[smem:$0x3FAF] =	sst s5  }
0xe: {  	[smem:$0x3FB0] =	sst s6  }
0xf: {  	[smem:$0x3FB1] =	sst s7  }
0x10: {  	[smem:$0x3FB2] =	sst s8  }
0x11: {  	[smem:$0x3FB3] =	sst s9;
	s0 =	simm.s32 @!p0 $0x0  }
0x12: {  	s1 =	sld [smem:$0x3F99];
	s0 =	simm.s32 @p0 $0x1  }
0x13: {  	[smem:$0x3FB4] =	sst s0;
	s0 =	simm.s32 @!p1 $0x0  }
0x14: {  	s2 =	sld [smem:$0x3F98];
	s0 =	simm.s32 @p1 $0x1  }
0x15: {  	[smem:$0x3FB5] =	sst s0;
	s0 =	simm.s32 @!p2 $0x0  }
0x16: {  	s3 =	sld [smem:$0x3FDB];
	s0 =	simm.s32 @p2 $0x1  }
0x17: {  	s4 =	simm.s32 $0x1BF5;
	[smem:$0x3FB7] =	sst s0  }
0x18: {  	s0 =	sld [smem:$0x3F9A];
	_ =	swait.ge [sflag:s4], $0x0  }
0x19: {  	s7 =	sld [smem:$0x3F9B]  }
0x1a: {  	s8 =	sadd.s32 $0xFFFFE003, lr  }
0x1b: {  	s9 =	sadd.s32 $0xFFFFFEF7, lr;
	s5 =	simm.s32 $0xFFFFFFFF;
	p2 =	slt.u32 s8, $0xFFFFF086  }
0x1c: {  	p1 =	slt.u32 s9, $0xF7A;
	s5 =	simm.s32 @!p2 $0x0  }
0x1d: {  	s5 =	simm.s32 @p1 $0x1;
	p0 =	seq.s32 s7, s2  }
0x1e: {  	s7 =	smul.u32 @!p0 $0xF7A, s2;
	p2 =	seq.s32 @!p0 s5, $0x0  }
0x1f: {  	s9 =	smul.u32 $0xF7A, s1;
	s8 =	simm.s32 @!p0 $0x1BF5;
	p2 =	por !p2, p0  }
0x20: {  	[sflag:s8] =	ssyncset.s32 @!p0 $0xFFFFF086;
	s6 =	sadd.s32 @!p0 s3, s7;
	s7 =	simm.s32 @!p0 $0x108  }
0x21: {  	s3 =	sadd.s32 s3, s9;
	s6 =	sadd.s32 @!p0 $0x88, s6;
	s7 =	simm.s32 @p2 $0x1082  }
0x22: {  	[simem:s7], [sflag:s8] =	dma.local @!p0 [hbm:s6], $0xF7A  }
0x23: {  	s9 =	sor.u32 $0xD0000000, s2;
	s6 =	simm.s32 $0x108;
	_ =	swait.ge @!p0 [sflag:s8], $0x0  }
0x24: {  	s3 =	sadd.s32 $0x88, s3;
	s6 =	simm.s32 @!p1 $0x1082;
	[sflag:s4] =	ssyncset.s32 $0xFFFFF086  }
0x25: {  	[simem:s6], [sflag:s4] =	dma.local [hbm:s3], $0xF7A  }
0x26: {  	[smem:$0x3F9B] =	sst s1;
	(tag) =	ssettag s2;
	_ =	strace s9  }
0x27: {  	s1 =	sld [smem:$0x3FAB]  }
0x28: {  	s2 =	sld [smem:$0x3FAC]  }
0x29: {  	s4 =	sld [smem:$0x3FAE]  }
0x2a: {  	p0 =	seq.s32 s5, $0x0;
	s5 =	sld [smem:$0x3FAF]  }
0x2b: {  	s6 =	sld [smem:$0x3FB0]  }
0x2c: {  	s7 =	sld [smem:$0x3FB1]  }
0x2d: {  	s3 =	simm.s32 $0x108;
	s8 =	sld [smem:$0x3FB2]  }
0x2e: {  	s3 =	simm.s32 @!p0 $0x1082;
	s9 =	sld [smem:$0x3FB3]  }
0x2f: {  	lr =	sadd.s32 s0, s3;
	s0 =	sld [smem:$0x3FAA]  }
0x30: {  	s3 =	sld [smem:$0x3FAD]  }
0x31: {  	[smem:$0x3FB6] =	sst s10  }
0x32: {  	s10 =	sld [smem:$0x3FB4];
	_ =	sdelay $0x3  }
0x33: {  	p0 =	seq.s32 s10, $0x1;
	s10 =	sld [smem:$0x3FB6];
	_ =	sdelay $0x3  }
0x34: {  	[smem:$0x3FB6] =	sst s10  }
0x35: {  	s10 =	sld [smem:$0x3FB5];
	_ =	sdelay $0x3  }
0x36: {  	p1 =	seq.s32 s10, $0x1;
	s10 =	sld [smem:$0x3FB6];
	_ =	sdelay $0x3  }
0x37: {  	[smem:$0x3FB6] =	sst s10  }
0x38: {  	s10 =	sld [smem:$0x3FB7]  }
0x39: {  	_ = 	snop;
	(pc) =	sbr.ind lr, $3  }
0x3a: {  	_ = 	snop  }
0x3b: {  	_ = 	snop  }
0x3c: {  	p2 =	seq.s32 s10, $0x1;
	s10 =	sld [smem:$0x3FB6]  }
0x3d: {  	_ =	shalt  }
0x3e: {  	_ =	shalt  }
0x3f: {  	_ =	shalt  }
0x40: {  	_ =	shalt  }
0x41: {  	_ =	shalt  }
0x42: {  	_ =	shalt  }
0x43: {  	_ =	shalt  }
0x44: {  	_ =	shalt  }
0x45: {  	_ =	shalt  }
0x46: {  	_ =	shalt  }
0x47: {  	_ =	shalt  }
0x48: {  	_ =	shalt  }
0x49: {  	_ =	shalt  }
0x4a: {  	_ =	shalt  }
0x4b: {  	_ =	shalt  }
0x4c: {  	_ =	shalt  }
0x4d: {  	_ =	shalt  }
0x4e: {  	_ =	shalt  }
0x4f: {  	_ =	shalt  }
0x50: {  	_ =	shalt  }
0x51: {  	_ =	shalt  }
0x52: {  	_ =	shalt  }
0x53: {  	_ =	shalt  }
0x54: {  	_ =	shalt  }
0x55: {  	_ =	shalt  }
0x56: {  	_ =	shalt  }
0x57: {  	_ =	shalt  }
0x58: {  	_ =	shalt  }
0x59: {  	_ =	shalt  }
0x5a: {  	_ =	shalt  }
0x5b: {  	_ =	shalt  }
0x5c: {  	_ =	shalt  }
0x5d: {  	_ =	shalt  }
0x5e: {  	_ =	shalt  }
0x5f: {  	_ =	shalt  }
0x60: {  	_ =	shalt  }
0x61: {  	_ =	shalt  }
0x62: {  	_ =	shalt  }
0x63: {  	_ =	shalt  }
0x64: {  	_ =	shalt  }
0x65: {  	_ =	shalt  }
0x66: {  	_ =	shalt  }
0x67: {  	_ =	shalt  }
0x68: {  	_ =	shalt  }
0x69: {  	_ =	shalt  }
0x6a: {  	_ =	shalt  }
0x6b: {  	_ =	shalt  }
0x6c: {  	_ =	shalt  }
0x6d: {  	_ =	shalt  }
0x6e: {  	_ =	shalt  }
0x6f: {  	_ =	shalt  }
0x70: {  	_ =	shalt  }
0x71: {  	_ =	shalt  }
0x72: {  	_ =	shalt  }
0x73: {  	_ =	shalt  }
0x74: {  	_ =	shalt  }
0x75: {  	_ =	shalt  }
0x76: {  	_ =	shalt  }
0x77: {  	_ =	shalt  }
0x78: {  	_ =	shalt  }
0x79: {  	_ =	shalt  }
0x7a: {  	_ =	shalt  }
0x7b: {  	_ =	shalt  }
0x7c: {  	_ =	shalt  }
0x7d: {  	_ =	shalt  }
0x7e: {  	_ =	shalt  }
0x7f: {  	_ =	shalt  }
0x80: {  	_ =	shalt  }
0x81: {  	_ =	shalt  }
0x82: {  	_ =	shalt  }
0x83: {  	_ =	shalt  }
0x84: {  	_ =	shalt  }
0x85: {  	_ =	shalt  }
0x86: {  	_ =	shalt  }
0x87: {  	_ =	shalt  }
.Lfunc_end0:
.L_simem_size_0:
called_computation_lowered:
.L_overlay_start_0:
0x88: {  	s2 =	sld [smem:$0x3FD9]  }
0x89: {  	s3 =	sld [smem:$0x3FFE];
	_ =	sdelay $0x1  }
0x8a: {  	s1 =	srdreg.scid  }
0x8b: {  	s0 =	sand.u32 $0x1, s1  }
0x8c: {  	s15 =	sshll.u32 s0, $0xA;
	s2 =	sadd.s32 s3, s2  }
0x8d: {  	s2 =	sadd.s32 s2, s15  }
0x8e: {  	[smem:$0x3FC2] =	sst s2  }
0x8f: {  	_ = 	snop  }
0x90: {  	s2 =	sld [smem:$0x3FD0];
	_ =	sdelay $0x2  }
0x91: {  	s16 =	simm.s32 $0xA;
	s4 =	simm.s32 $0x10  }
0x92: {  	[smem:s4], [sflag:s16] =	dma.local [hbm:s2], $0x1  }
0x93: {  	_ =	swait.eq [sflag:s16], $0x1  }
0x94: {  	[sflag:s16] =	ssyncset.done $0x0  }
0x95: {  	s17 =	sld [smem:$0x10];
	[sflag:s16] =	ssyncadd.s32 $0xFFFFFFFF  }
0x96: {  	s18 =	sld [smem:$0x11];
	(tm) =	ssettm $0x1  }
0x97: {  	s19 =	sld [smem:$0x3FFB];
	_ =	sdelay $0x3  }
0x98: {  	_ =	strace s19  }
0x99: {  	s4 =	sld [smem:$0x3FFC];
	_ =	sdelay $0x3  }
0x9a: {  	_ =	strace s4  }
0x9b: {  	s4 =	sld [smem:$0x3FFD];
	_ =	sdelay $0x3  }
0x9c: {  	_ =	strace s4  }
0x9d: {  	_ =	strace $0x8FFFFFFF  }
0x9e: {  	s20 =	sld [smem:$0x3FDB];
	_ =	sdelay $0x1  }
0x9f: {  	s5 =	simm.s32 $_scs_section_size  }
0xa0: {  	s6 =	simm.s32 $_size__tile_overlayer_lowered;
	s7 =	simm.s32 $_tile_overlayer_lowered  }
0xa1: {  	s23 =	simm.s32 $0x1BFF;
	s22 =	sshll.u32 s7, $0x1;
	s4 =	sadd.s32 s5, s20  }
0xa2: {  	s8 =	simm.s32 $0x0;
	s21 =	sshll.u32 s6, $0x1;
	s6 =	sadd.s32 s22, s4  }
0xa3: {  	[timem:s8], [sflag:s23] =	dma.local [hbm:s6], s21  }
0xa4: {  	_ =	swait.ge [sflag:s23], s21  }
0xa5: {  	s5 =	ssub.s32 $0x0, s21;
	[sflag:s23] =	ssyncset.done $0x0  }
0xa6: {  	[sflag:s23] =	ssyncadd.s32 s5;
	_ =	sdelay $0x1  }
0xa7: {  	s24 =	simm.s32 $0x1B8B  }
0xa8: {  	_ =	swait.ge [sflag:s24], $0x1  }
0xa9: {  	[sflag:s24] =	ssyncset.done $0x0  }
0xaa: {  	s25 =	simm.s32 $0x1B8E;
	[sflag:s24] =	ssyncadd.s32 $0xFFFFFFFF  }
0xab: {  	s26 =	simm.s32 $execute0_lowered;
	[smem:$0x3FD2] =	sst s25  }
0xac: {  	s5 =	sshll.u32 s26, $0x1;
	_ =	strace $0x80000046;
	[dreg:$0x1] =	wrdreg $0xFFFFFFFF  }
0xad: {  	s28 =	simm.s32 $_size_execute0_lowered;
	s4 =	sadd.s32 s4, s5;
	[dreg:$0x0] =	wrdreg $0x0  }
0xae: {  	s5 =	sshll.u32 s28, $0x1;
	[dreg:$0x2] =	wrdreg s4  }
0xaf: {  	[dreg:$0x3] =	wrdreg s5  }
0xb0: {  	[dreg:$0x4] =	wrdreg $0xC0  }
0xb1: {  	_ =	task [dreg:s8], $0x5FFFF  }
0xb2: {  	[dreg:$0x1] =	wrdreg $0xFFFFFFFF  }
0xb3: {  	[dreg:$0x0] =	wrdreg $0x60  }
0xb4: {  	[dreg:$0x2] =	wrdreg s18  }
0xb5: {  	[dreg:$0x3] =	wrdreg s17  }
0xb6: {  	[dreg:$0x4] =	wrdreg $0x9  }
0xb7: {  	_ =	task.clear_ibuf [dreg:s8], $0x5FFFF;
	_ =	strace $0x90000046  }
0xb8: {  	s29 =	simm.s32 $0x9;
	_ =	strace $0x80000048  }
0xb9: {  	_ =	swait.ge [sflag:s29], $0x1  }
0xba: {  	[sflag:s29] =	ssyncadd.s32 $0xFFFFFFFF  }
0xbb: {  	_ =	strace $0x90000048  }
0xbc: {  	_ =	sfence  }
0xbd: {  	s30 =	sld [smem:$0x0];
	_ =	sdelay $0x2  }
0xbe: {  	s31 =	sshll.u32 s1, $0xD;
	s1 =	sshrl.u32 s1, $0x2  }
0xbf: {  	s3 =	sand.u32 $0x4000, s31;
	s1 =	sadd.s32 s1, s30  }
0xc0: {  	s0 =	sor.u32 s3, s0;
	s1 =	sshll.u32 s1, $0x11  }
0xc1: {  	s0 =	sor.u32 s1, s0  }
0xc2: {  	s0 =	sadd.s32 $0x8F2B, s0  }
0xc3: {  	[sflag:s0] =	ssyncadd.remote.s32 $0x1  }
0xc4: {  	_ =	sfence.sel $0xFFFF  }
0xc5: {  	[dreg:$0x0] =	wrdreg $0xFFFFFFFF;
	(pc) =	sbr.abs _section_cstart, $3  }
0xc6: {  	[dreg:$0x1] =	wrdreg $0xFFFFFFFF  }
0xc7: {  	_ =	task.clear_ibuf [dreg:s8], $0x2FFFF;
	_ =	strace $0x9FFFFFFF  }
0xc8: {  	(tm) =	ssettm $0x7FFFFFFF  }
0xc9: {  	_ =	shalt  }
tec
execute0_lowered:
.L_overlay_start_1:
0x0: {  	(tag) =	ssettag $0x1  }
0x1: {  	s3 =	rddreg [dreg:$0x0]  }
0x2: {  	s4 =	rddreg [dreg:$0x1]  }
0x3: {  	s0 =	rddreg [dreg:$0x2];
	s5 =	srdreg.scid  }
0x4: {  	s2 =	simm.s32 $0x0;
	s1 =	stileid.u32;
	s5 =	sand.u32 $0x1, s5  }
0x5: {  	[smem:$0x7FF] =	sst s2;
	s7 =	sshll.u32 s1, $0x1;
	s6 =	ssub.s32 $0x2, s5  }
0x6: {  	_ =	strace $0x80000047;
	s5 =	sor.u32 s5, s7;
	s8 =	sshrl.u32 s6, $0x1  }
0x7: {  	s7 =	sshll.u32 s5, $0xC;
	s5 =	sshll.u32 s5, $0x7;
	s6 =	ssub.s32 s6, s8  }
0x8: {  	s3 =	sadd.s32 s3, s7;
	s4 =	sadd.s32 s4, s5;
	s7 =	simm.s32 $0x8000  }
0x9: {  	s8 =	simm.s32 $0x0;
	s5 =	smax.u32 s6, $0x1;
	s6 =	simm.s32 $0x1  }
.LBB2_1:
0xa: {  	[tilespmem:s2], [sflag:$0x1] =	stream.linear.gather [hbm4b:s3+s2], $0x8000, $0x38;
	[tilespmem:$0x8400] =	vst v63  }
0xb: {  	_ =	swait.ge [sflag:s6], $0x8000  }
0xc: {  	s9 =	sand.u32 $0x70, s2;
	s10 =	sand.u32 $0x7C00, s2;
	[sflag:s6] =	ssyncset.done $0x0  }
0xd: {  	s9 =	sor.u32 s9, s10;
	[sflag:s6] =	ssyncadd.s32 $0xFFFF8000  }
0xe: {  	v0 =	vld [tilespmem:s9+$0x0];
	_ =	sdelay $0x4  }
0xf: {  	v0 =	vand.u32 $0x7FFFFFFF, v0  }
0x10: {  	(xrf1) =	vsort.dscd.msk.f32 $0xffff, v0, v0;
	_ =	sdelay $0x4  }
0x11: {  	(xrf0) =	vmax.scan.msk.f32 $0xffff, v0;
	v0 =	vimm.f32 $-1.000000000e+00  }
0x12: {  	(xrf0) =	vmin.scan.msk.f32 $0xffff, v0;
	_ =	sdelay $0x4  }
0x13: {  	v1, _, _ =	vpop (xrf0)  }
0x14: {  	(v2sf) =	vpush v1, $0xF;
	v1, _, _ =	vpop (xrf0)  }
0x15: {  	(v2sf) =	vpush v1, $0xF  }
0x16: {  	v2, _, _ =	vpop (xrf1)  }
0x17: {  	v2 =	vmax.f32 v0, v2  }
0x18: {  	(xrf1) =	vsort.ascd.msk.f32 $0xffff, v2, v2  }
0x19: {  	s31 =	simm.s32 $0x10;
	s9 =	simm.s32 $0x80  }
0x1a: {  	s11 =	sand.u32 $0x70, s31;
	s10 =	simm.s32 $0x20;
	s12 =	sand.u32 $0x7C00, s9  }
.LBB2_2:
0x1b: {  	p0 =	sne.s32 s10, $0xFF0;
	s11 =	sor.u32 s11, s12  }
0x1c: {  	v1 =	vld [tilespmem:s11+$0x0];
	_ =	sdelay $0x4  }
0x1d: {  	v1 =	vand.u32 $0x7FFFFFFF, v1  }
0x1e: {  	(xrf1) =	vsort.dscd.msk.f32 $0xffff, v1, v1  }
0x1f: {  	s11 =	spop (v2sf)  }
0x20: {  	s12 =	spop (v2sf)  }
0x21: {  	p1 =	sgt.f32 s11, s12  }
0x22: {  	v2, _, _ =	vpop (xrf1)  }
0x23: {  	(xrf0) =	vmax.scan.msk.f32 $0xffff, v1;
	v0 =	vpsel p1, v2, v0  }
0x24: {  	(xrf0) =	vmin.scan.msk.f32 $0xffff, v0;
	_ =	sdelay $0x4  }
0x25: {  	v1, _, _ =	vpop (xrf0)  }
0x26: {  	(v2sf) =	vpush v1, $0xF;
	v1, _, _ =	vpop (xrf0)  }
0x27: {  	(v2sf) =	vpush v1, $0xF  }
.Ltmp0:
0x28: {  	v1, _, _ =	vpop (xrf1);
	(pc) =	sbr.rel @p0 .LBB2_2-.Ltmp0, $4  }
0x29: {  	v1 =	vmax.f32 v0, v1  }
0x2a: {  	(xrf1) =	vsort.ascd.msk.f32 $0xffff, v1, v1  }
0x2b: {  	s9 =	sadd.s32 $0x80, s9  }
0x2c: {  	s11 =	sand.u32 $0x70, s10;
	s12 =	sand.u32 $0x7C00, s9;
	s10 =	sadd.s32 $0x10, s10  }
0x2d: {  	s9 =	sor.u32 s11, s12  }
0x2e: {  	v1 =	vld [tilespmem:s9+$0x0];
	_ =	sdelay $0x4  }
0x2f: {  	v1 =	vand.u32 $0x7FFFFFFF, v1  }
0x30: {  	(xrf1) =	vsort.dscd.msk.f32 $0xffff, v1, v1  }
0x31: {  	s25 =	spop (v2sf)  }
0x32: {  	s10 =	spop (v2sf)  }
0x33: {  	p0 =	sgt.f32 s25, s10  }
0x34: {  	v2, _, _ =	vpop (xrf1)  }
0x35: {  	(xrf0) =	vmax.scan.msk.f32 $0xffff, v1;
	v0 =	vpsel p0, v2, v0  }
0x36: {  	(xrf0) =	vmin.scan.msk.f32 $0xffff, v0;
	_ =	sdelay $0x4  }
0x37: {  	v1, _, _ =	vpop (xrf0)  }
0x38: {  	(v2sf) =	vpush v1, $0xF;
	v1, _, _ =	vpop (xrf0)  }
0x39: {  	(v2sf) =	vpush v1, $0xF  }
0x3a: {  	v1, _, _ =	vpop (xrf1)  }
0x3b: {  	v1 =	vmax.f32 v0, v1  }
0x3c: {  	(xrf1) =	vsort.ascd.msk.f32 $0xffff, v1, v1;
	_ =	sdelay $0xa  }
0x3d: {  	s26 =	spop (v2sf)  }
0x3e: {  	s28 =	spop (v2sf)  }
0x3f: {  	p6 =	sgt.f32 s26, s28  }
0x40: {  	s29 =	simm.s32 $0x0;
	v1, _, _ =	vpop (xrf1)  }
0x41: {  	s30 =	sand.u32 $0x70, s29;
	s9 =	sand.u32 $0x7C00, s29;
	v0 =	vpsel p6, v1, v0  }
0x42: {  	s9 =	sor.u32 s30, s9;
	[tilespmem:$0x8000] =	vst v0  }
0x43: {  	v0 =	vld [tilespmem:s9+$0x80];
	_ =	sdelay $0x4  }
0x44: {  	v0 =	vand.u32 $0x7FFFFFFF, v0  }
0x45: {  	(xrf1) =	vsort.dscd.msk.f32 $0xffff, v0, v0;
	_ =	sdelay $0x4  }
0x46: {  	(xrf0) =	vmax.scan.msk.f32 $0xffff, v0;
	v0 =	vimm.f32 $-1.000000000e+00  }
0x47: {  	(xrf0) =	vmin.scan.msk.f32 $0xffff, v0;
	_ =	sdelay $0x4  }
0x48: {  	v1, _, _ =	vpop (xrf0)  }
0x49: {  	(v2sf) =	vpush v1, $0xF;
	v1, _, _ =	vpop (xrf0)  }
0x4a: {  	(v2sf) =	vpush v1, $0xF  }
0x4b: {  	v2, _, _ =	vpop (xrf1)  }
0x4c: {  	v2 =	vmax.f32 v0, v2  }
0x4d: {  	(xrf1) =	vsort.ascd.msk.f32 $0xffff, v2, v2  }
0x4e: {  	s31 =	simm.s32 $0x10;
	s9 =	simm.s32 $0x80  }
0x4f: {  	s11 =	sand.u32 $0x70, s31;
	s10 =	simm.s32 $0x20;
	s12 =	sand.u32 $0x7C00, s9  }
.LBB2_4:
0x50: {  	p0 =	sne.s32 s10, $0xFF0;
	s11 =	sor.u32 s11, s12  }
0x51: {  	v1 =	vld [tilespmem:s11+$0x80];
	_ =	sdelay $0x4  }
0x52: {  	v1 =	vand.u32 $0x7FFFFFFF, v1  }
0x53: {  	(xrf1) =	vsort.dscd.msk.f32 $0xffff, v1, v1  }
0x54: {  	s11 =	spop (v2sf)  }
0x55: {  	s12 =	spop (v2sf)  }
0x56: {  	p1 =	sgt.f32 s11, s12  }
0x57: {  	v2, _, _ =	vpop (xrf1)  }
0x58: {  	(xrf0) =	vmax.scan.msk.f32 $0xffff, v1;
	v0 =	vpsel p1, v2, v0  }
0x59: {  	(xrf0) =	vmin.scan.msk.f32 $0xffff, v0;
	_ =	sdelay $0x4  }
0x5a: {  	v1, _, _ =	vpop (xrf0)  }
0x5b: {  	(v2sf) =	vpush v1, $0xF;
	v1, _, _ =	vpop (xrf0)  }
0x5c: {  	(v2sf) =	vpush v1, $0xF  }
.Ltmp1:
0x5d: {  	v1, _, _ =	vpop (xrf1);
	(pc) =	sbr.rel @p0 .LBB2_4-.Ltmp1, $4  }
0x5e: {  	v1 =	vmax.f32 v0, v1  }
0x5f: {  	(xrf1) =	vsort.ascd.msk.f32 $0xffff, v1, v1  }
0x60: {  	s9 =	sadd.s32 $0x80, s9  }
0x61: {  	s11 =	sand.u32 $0x70, s10;
	s12 =	sand.u32 $0x7C00, s9;
	s10 =	sadd.s32 $0x10, s10  }
0x62: {  	s9 =	sor.u32 s11, s12  }
0x63: {  	v1 =	vld [tilespmem:s9+$0x80];
	_ =	sdelay $0x4  }
0x64: {  	v1 =	vand.u32 $0x7FFFFFFF, v1  }
0x65: {  	(xrf1) =	vsort.dscd.msk.f32 $0xffff, v1, v1  }
0x66: {  	s25 =	spop (v2sf)  }
0x67: {  	s10 =	spop (v2sf)  }
0x68: {  	p0 =	sgt.f32 s25, s10  }
0x69: {  	v2, _, _ =	vpop (xrf1)  }
0x6a: {  	(xrf0) =	vmax.scan.msk.f32 $0xffff, v1;
	v0 =	vpsel p0, v2, v0  }
0x6b: {  	(xrf0) =	vmin.scan.msk.f32 $0xffff, v0;
	_ =	sdelay $0x4  }
0x6c: {  	v1, _, _ =	vpop (xrf0)  }
0x6d: {  	(v2sf) =	vpush v1, $0xF;
	v1, _, _ =	vpop (xrf0)  }
0x6e: {  	(v2sf) =	vpush v1, $0xF  }
0x6f: {  	v1, _, _ =	vpop (xrf1)  }
0x70: {  	v1 =	vmax.f32 v0, v1  }
0x71: {  	(xrf1) =	vsort.ascd.msk.f32 $0xffff, v1, v1;
	_ =	sdelay $0xa  }
0x72: {  	s26 =	spop (v2sf)  }
0x73: {  	s28 =	spop (v2sf)  }
0x74: {  	p6 =	sgt.f32 s26, s28  }
0x75: {  	s29 =	simm.s32 $0x0;
	v1, _, _ =	vpop (xrf1)  }
0x76: {  	s30 =	sand.u32 $0x70, s29;
	s9 =	sand.u32 $0x7C00, s29;
	v0 =	vpsel p6, v1, v0  }
0x77: {  	s9 =	sor.u32 s30, s9;
	[tilespmem:$0x8080] =	vst v0  }
0x78: {  	v0 =	vld [tilespmem:s9+$0x100];
	_ =	sdelay $0x4  }
0x79: {  	v0 =	vand.u32 $0x7FFFFFFF, v0  }
0x7a: {  	(xrf1) =	vsort.dscd.msk.f32 $0xffff, v0, v0;
	_ =	sdelay $0x4  }
0x7b: {  	(xrf0) =	vmax.scan.msk.f32 $0xffff, v0;
	v0 =	vimm.f32 $-1.000000000e+00  }
0x7c: {  	(xrf0) =	vmin.scan.msk.f32 $0xffff, v0;
	_ =	sdelay $0x4  }
0x7d: {  	v1, _, _ =	vpop (xrf0)  }
0x7e: {  	(v2sf) =	vpush v1, $0xF;
	v1, _, _ =	vpop (xrf0)  }
0x7f: {  	(v2sf) =	vpush v1, $0xF  }
0x80: {  	v2, _, _ =	vpop (xrf1)  }
0x81: {  	v2 =	vmax.f32 v0, v2  }
0x82: {  	(xrf1) =	vsort.ascd.msk.f32 $0xffff, v2, v2  }
0x83: {  	s31 =	simm.s32 $0x10;
	s9 =	simm.s32 $0x80  }
0x84: {  	s11 =	sand.u32 $0x70, s31;
	s10 =	simm.s32 $0x20;
	s12 =	sand.u32 $0x7C00, s9  }
.LBB2_6:
0x85: {  	p0 =	sne.s32 s10, $0xFF0;
	s11 =	sor.u32 s11, s12  }
0x86: {  	v1 =	vld [tilespmem:s11+$0x100];
	_ =	sdelay $0x4  }
0x87: {  	v1 =	vand.u32 $0x7FFFFFFF, v1  }
0x88: {  	(xrf1) =	vsort.dscd.msk.f32 $0xffff, v1, v1  }
0x89: {  	s11 =	spop (v2sf)  }
0x8a: {  	s12 =	spop (v2sf)  }
0x8b: {  	p1 =	sgt.f32 s11, s12  }
0x8c: {  	v2, _, _ =	vpop (xrf1)  }
0x8d: {  	(xrf0) =	vmax.scan.msk.f32 $0xffff, v1;
	v0 =	vpsel p1, v2, v0  }
0x8e: {  	(xrf0) =	vmin.scan.msk.f32 $0xffff, v0;
	_ =	sdelay $0x4  }
0x8f: {  	v1, _, _ =	vpop (xrf0)  }
0x90: {  	(v2sf) =	vpush v1, $0xF;
	v1, _, _ =	vpop (xrf0)  }
0x91: {  	(v2sf) =	vpush v1, $0xF  }
.Ltmp2:
0x92: {  	v1, _, _ =	vpop (xrf1);
	(pc) =	sbr.rel @p0 .LBB2_6-.Ltmp2, $4  }
0x93: {  	v1 =	vmax.f32 v0, v1  }
0x94: {  	(xrf1) =	vsort.ascd.msk.f32 $0xffff, v1, v1  }
0x95: {  	s9 =	sadd.s32 $0x80, s9  }
0x96: {  	s11 =	sand.u32 $0x70, s10;
	s12 =	sand.u32 $0x7C00, s9;
	s10 =	sadd.s32 $0x10, s10  }
0x97: {  	s9 =	sor.u32 s11, s12  }
0x98: {  	v1 =	vld [tilespmem:s9+$0x100];
	_ =	sdelay $0x4  }
0x99: {  	v1 =	vand.u32 $0x7FFFFFFF, v1  }
0x9a: {  	(xrf1) =	vsort.dscd.msk.f32 $0xffff, v1, v1  }
0x9b: {  	s25 =	spop (v2sf)  }
0x9c: {  	s10 =	spop (v2sf)  }
0x9d: {  	p0 =	sgt.f32 s25, s10  }
0x9e: {  	v2, _, _ =	vpop (xrf1)  }
0x9f: {  	(xrf0) =	vmax.scan.msk.f32 $0xffff, v1;
	v0 =	vpsel p0, v2, v0  }
0xa0: {  	(xrf0) =	vmin.scan.msk.f32 $0xffff, v0;
	_ =	sdelay $0x4  }
0xa1: {  	v1, _, _ =	vpop (xrf0)  }
0xa2: {  	(v2sf) =	vpush v1, $0xF;
	v1, _, _ =	vpop (xrf0)  }
0xa3: {  	(v2sf) =	vpush v1, $0xF  }
0xa4: {  	v1, _, _ =	vpop (xrf1)  }
0xa5: {  	v1 =	vmax.f32 v0, v1  }
0xa6: {  	(xrf1) =	vsort.ascd.msk.f32 $0xffff, v1, v1;
	_ =	sdelay $0xa  }
0xa7: {  	s26 =	spop (v2sf)  }
0xa8: {  	s28 =	spop (v2sf)  }
0xa9: {  	p6 =	sgt.f32 s26, s28  }
0xaa: {  	s29 =	simm.s32 $0x0;
	v1, _, _ =	vpop (xrf1)  }
0xab: {  	s30 =	sand.u32 $0x70, s29;
	s9 =	sand.u32 $0x7C00, s29;
	v0 =	vpsel p6, v1, v0  }
0xac: {  	s9 =	sor.u32 s30, s9;
	[tilespmem:$0x8100] =	vst v0  }
0xad: {  	v0 =	vld [tilespmem:s9+$0x180];
	_ =	sdelay $0x4  }
0xae: {  	v0 =	vand.u32 $0x7FFFFFFF, v0  }
0xaf: {  	(xrf1) =	vsort.dscd.msk.f32 $0xffff, v0, v0;
	_ =	sdelay $0x4  }
0xb0: {  	(xrf0) =	vmax.scan.msk.f32 $0xffff, v0;
	v0 =	vimm.f32 $-1.000000000e+00  }
0xb1: {  	(xrf0) =	vmin.scan.msk.f32 $0xffff, v0;
	_ =	sdelay $0x4  }
0xb2: {  	v1, _, _ =	vpop (xrf0)  }
0xb3: {  	(v2sf) =	vpush v1, $0xF;
	v1, _, _ =	vpop (xrf0)  }
0xb4: {  	(v2sf) =	vpush v1, $0xF  }
0xb5: {  	v2, _, _ =	vpop (xrf1)  }
0xb6: {  	v2 =	vmax.f32 v0, v2  }
0xb7: {  	(xrf1) =	vsort.ascd.msk.f32 $0xffff, v2, v2  }
0xb8: {  	s31 =	simm.s32 $0x10;
	s9 =	simm.s32 $0x80  }
0xb9: {  	s11 =	sand.u32 $0x70, s31;
	s10 =	simm.s32 $0x20;
	s12 =	sand.u32 $0x7C00, s9  }
.LBB2_8:
0xba: {  	p0 =	sne.s32 s10, $0xFF0;
	s11 =	sor.u32 s11, s12  }
0xbb: {  	v1 =	vld [tilespmem:s11+$0x180];
	_ =	sdelay $0x4  }
0xbc: {  	v1 =	vand.u32 $0x7FFFFFFF, v1  }
0xbd: {  	(xrf1) =	vsort.dscd.msk.f32 $0xffff, v1, v1  }
0xbe: {  	s11 =	spop (v2sf)  }
0xbf: {  	s12 =	spop (v2sf)  }
0xc0: {  	p1 =	sgt.f32 s11, s12  }
0xc1: {  	v2, _, _ =	vpop (xrf1)  }
0xc2: {  	(xrf0) =	vmax.scan.msk.f32 $0xffff, v1;
	v0 =	vpsel p1, v2, v0  }
0xc3: {  	(xrf0) =	vmin.scan.msk.f32 $0xffff, v0;
	_ =	sdelay $0x4  }
0xc4: {  	v1, _, _ =	vpop (xrf0)  }
0xc5: {  	(v2sf) =	vpush v1, $0xF;
	v1, _, _ =	vpop (xrf0)  }
0xc6: {  	(v2sf) =	vpush v1, $0xF  }
.Ltmp3:
0xc7: {  	v1, _, _ =	vpop (xrf1);
	(pc) =	sbr.rel @p0 .LBB2_8-.Ltmp3, $4  }
0xc8: {  	v1 =	vmax.f32 v0, v1  }
0xc9: {  	(xrf1) =	vsort.ascd.msk.f32 $0xffff, v1, v1  }
0xca: {  	s9 =	sadd.s32 $0x80, s9  }
0xcb: {  	s11 =	sand.u32 $0x70, s10;
	s12 =	sand.u32 $0x7C00, s9;
	s10 =	sadd.s32 $0x10, s10  }
0xcc: {  	s9 =	sor.u32 s11, s12  }
0xcd: {  	v1 =	vld [tilespmem:s9+$0x180];
	_ =	sdelay $0x4  }
0xce: {  	v1 =	vand.u32 $0x7FFFFFFF, v1  }
0xcf: {  	(xrf1) =	vsort.dscd.msk.f32 $0xffff, v1, v1  }
0xd0: {  	s25 =	spop (v2sf)  }
0xd1: {  	s10 =	spop (v2sf)  }
0xd2: {  	p0 =	sgt.f32 s25, s10  }
0xd3: {  	v2, _, _ =	vpop (xrf1)  }
0xd4: {  	(xrf0) =	vmax.scan.msk.f32 $0xffff, v1;
	v0 =	vpsel p0, v2, v0  }
0xd5: {  	(xrf0) =	vmin.scan.msk.f32 $0xffff, v0;
	_ =	sdelay $0x4  }
0xd6: {  	v1, _, _ =	vpop (xrf0)  }
0xd7: {  	(v2sf) =	vpush v1, $0xF;
	v1, _, _ =	vpop (xrf0)  }
0xd8: {  	(v2sf) =	vpush v1, $0xF  }
0xd9: {  	v1, _, _ =	vpop (xrf1)  }
0xda: {  	v1 =	vmax.f32 v0, v1  }
0xdb: {  	(xrf1) =	vsort.ascd.msk.f32 $0xffff, v1, v1;
	_ =	sdelay $0xa  }
0xdc: {  	s26 =	spop (v2sf)  }
0xdd: {  	s28 =	spop (v2sf)  }
0xde: {  	p6 =	sgt.f32 s26, s28  }
0xdf: {  	s29 =	simm.s32 $0x0;
	v1, _, _ =	vpop (xrf1)  }
0xe0: {  	s30 =	sand.u32 $0x70, s29;
	s9 =	sand.u32 $0x7C00, s29;
	v0 =	vpsel p6, v1, v0  }
0xe1: {  	s9 =	sor.u32 s30, s9;
	[tilespmem:$0x8180] =	vst v0  }
0xe2: {  	v0 =	vld [tilespmem:s9+$0x200];
	_ =	sdelay $0x4  }
0xe3: {  	v0 =	vand.u32 $0x7FFFFFFF, v0  }
0xe4: {  	(xrf1) =	vsort.dscd.msk.f32 $0xffff, v0, v0;
	_ =	sdelay $0x4  }
0xe5: {  	(xrf0) =	vmax.scan.msk.f32 $0xffff, v0;
	v0 =	vimm.f32 $-1.000000000e+00  }
0xe6: {  	(xrf0) =	vmin.scan.msk.f32 $0xffff, v0;
	_ =	sdelay $0x4  }
0xe7: {  	v1, _, _ =	vpop (xrf0)  }
0xe8: {  	(v2sf) =	vpush v1, $0xF;
	v1, _, _ =	vpop (xrf0)  }
0xe9: {  	(v2sf) =	vpush v1, $0xF  }
0xea: {  	v2, _, _ =	vpop (xrf1)  }
0xeb: {  	v2 =	vmax.f32 v0, v2  }
0xec: {  	(xrf1) =	vsort.ascd.msk.f32 $0xffff, v2, v2  }
0xed: {  	s31 =	simm.s32 $0x10;
	s9 =	simm.s32 $0x80  }
0xee: {  	s11 =	sand.u32 $0x70, s31;
	s10 =	simm.s32 $0x20;
	s12 =	sand.u32 $0x7C00, s9  }
.LBB2_10:
0xef: {  	p0 =	sne.s32 s10, $0xFF0;
	s11 =	sor.u32 s11, s12  }
0xf0: {  	v1 =	vld [tilespmem:s11+$0x200];
	_ =	sdelay $0x4  }
0xf1: {  	v1 =	vand.u32 $0x7FFFFFFF, v1  }
0xf2: {  	(xrf1) =	vsort.dscd.msk.f32 $0xffff, v1, v1  }
0xf3: {  	s11 =	spop (v2sf)  }
0xf4: {  	s12 =	spop (v2sf)  }
0xf5: {  	p1 =	sgt.f32 s11, s12  }
0xf6: {  	v2, _, _ =	vpop (xrf1)  }
0xf7: {  	(xrf0) =	vmax.scan.msk.f32 $0xffff, v1;
	v0 =	vpsel p1, v2, v0  }
0xf8: {  	(xrf0) =	vmin.scan.msk.f32 $0xffff, v0;
	_ =	sdelay $0x4  }
0xf9: {  	v1, _, _ =	vpop (xrf0)  }
0xfa: {  	(v2sf) =	vpush v1, $0xF;
	v1, _, _ =	vpop (xrf0)  }
0xfb: {  	(v2sf) =	vpush v1, $0xF  }
.Ltmp4:
0xfc: {  	v1, _, _ =	vpop (xrf1);
	(pc) =	sbr.rel @p0 .LBB2_10-.Ltmp4, $4  }
0xfd: {  	v1 =	vmax.f32 v0, v1  }
0xfe: {  	(xrf1) =	vsort.ascd.msk.f32 $0xffff, v1, v1  }
0xff: {  	s9 =	sadd.s32 $0x80, s9  }
0x100: {  	s11 =	sand.u32 $0x70, s10;
	s12 =	sand.u32 $0x7C00, s9;
	s10 =	sadd.s32 $0x10, s10  }
0x101: {  	s9 =	sor.u32 s11, s12  }
0x102: {  	v1 =	vld [tilespmem:s9+$0x200];
	_ =	sdelay $0x4  }
0x103: {  	v1 =	vand.u32 $0x7FFFFFFF, v1  }
0x104: {  	(xrf1) =	vsort.dscd.msk.f32 $0xffff, v1, v1  }
0x105: {  	s25 =	spop (v2sf)  }
0x106: {  	s10 =	spop (v2sf)  }
0x107: {  	p0 =	sgt.f32 s25, s10  }
0x108: {  	v2, _, _ =	vpop (xrf1)  }
0x109: {  	(xrf0) =	vmax.scan.msk.f32 $0xffff, v1;
	v0 =	vpsel p0, v2, v0  }
0x10a: {  	(xrf0) =	vmin.scan.msk.f32 $0xffff, v0;
	_ =	sdelay $0x4  }
0x10b: {  	v1, _, _ =	vpop (xrf0)  }
0x10c: {  	(v2sf) =	vpush v1, $0xF;
	v1, _, _ =	vpop (xrf0)  }
0x10d: {  	(v2sf) =	vpush v1, $0xF  }
0x10e: {  	v1, _, _ =	vpop (xrf1)  }
0x10f: {  	v1 =	vmax.f32 v0, v1  }
0x110: {  	(xrf1) =	vsort.ascd.msk.f32 $0xffff, v1, v1;
	_ =	sdelay $0xa  }
0x111: {  	s26 =	spop (v2sf)  }
0x112: {  	s28 =	spop (v2sf)  }
0x113: {  	p6 =	sgt.f32 s26, s28  }
0x114: {  	s29 =	simm.s32 $0x0;
	v1, _, _ =	vpop (xrf1)  }
0x115: {  	s30 =	sand.u32 $0x70, s29;
	s9 =	sand.u32 $0x7C00, s29;
	v0 =	vpsel p6, v1, v0  }
0x116: {  	s9 =	sor.u32 s30, s9;
	[tilespmem:$0x8200] =	vst v0  }
0x117: {  	v0 =	vld [tilespmem:s9+$0x280];
	_ =	sdelay $0x4  }
0x118: {  	v0 =	vand.u32 $0x7FFFFFFF, v0  }
0x119: {  	(xrf1) =	vsort.dscd.msk.f32 $0xffff, v0, v0;
	_ =	sdelay $0x4  }
0x11a: {  	(xrf0) =	vmax.scan.msk.f32 $0xffff, v0;
	v0 =	vimm.f32 $-1.000000000e+00  }
0x11b: {  	(xrf0) =	vmin.scan.msk.f32 $0xffff, v0;
	_ =	sdelay $0x4  }
0x11c: {  	v1, _, _ =	vpop (xrf0)  }
0x11d: {  	(v2sf) =	vpush v1, $0xF;
	v1, _, _ =	vpop (xrf0)  }
0x11e: {  	(v2sf) =	vpush v1, $0xF  }
0x11f: {  	v2, _, _ =	vpop (xrf1)  }
0x120: {  	v2 =	vmax.f32 v0, v2  }
0x121: {  	(xrf1) =	vsort.ascd.msk.f32 $0xffff, v2, v2  }
0x122: {  	s31 =	simm.s32 $0x10;
	s9 =	simm.s32 $0x80  }
0x123: {  	s11 =	sand.u32 $0x70, s31;
	s10 =	simm.s32 $0x20;
	s12 =	sand.u32 $0x7C00, s9  }
.LBB2_12:
0x124: {  	p0 =	sne.s32 s10, $0xFF0;
	s11 =	sor.u32 s11, s12  }
0x125: {  	v1 =	vld [tilespmem:s11+$0x280];
	_ =	sdelay $0x4  }
0x126: {  	v1 =	vand.u32 $0x7FFFFFFF, v1  }
0x127: {  	(xrf1) =	vsort.dscd.msk.f32 $0xffff, v1, v1  }
0x128: {  	s11 =	spop (v2sf)  }
0x129: {  	s12 =	spop (v2sf)  }
0x12a: {  	p1 =	sgt.f32 s11, s12  }
0x12b: {  	v2, _, _ =	vpop (xrf1)  }
0x12c: {  	(xrf0) =	vmax.scan.msk.f32 $0xffff, v1;
	v0 =	vpsel p1, v2, v0  }
0x12d: {  	(xrf0) =	vmin.scan.msk.f32 $0xffff, v0;
	_ =	sdelay $0x4  }
0x12e: {  	v1, _, _ =	vpop (xrf0)  }
0x12f: {  	(v2sf) =	vpush v1, $0xF;
	v1, _, _ =	vpop (xrf0)  }
0x130: {  	(v2sf) =	vpush v1, $0xF  }
.Ltmp5:
0x131: {  	v1, _, _ =	vpop (xrf1);
	(pc) =	sbr.rel @p0 .LBB2_12-.Ltmp5, $4  }
0x132: {  	v1 =	vmax.f32 v0, v1  }
0x133: {  	(xrf1) =	vsort.ascd.msk.f32 $0xffff, v1, v1  }
0x134: {  	s9 =	sadd.s32 $0x80, s9  }
0x135: {  	s11 =	sand.u32 $0x70, s10;
	s12 =	sand.u32 $0x7C00, s9;
	s10 =	sadd.s32 $0x10, s10  }
0x136: {  	s9 =	sor.u32 s11, s12  }
0x137: {  	v1 =	vld [tilespmem:s9+$0x280];
	_ =	sdelay $0x4  }
0x138: {  	v1 =	vand.u32 $0x7FFFFFFF, v1  }
0x139: {  	(xrf1) =	vsort.dscd.msk.f32 $0xffff, v1, v1  }
0x13a: {  	s25 =	spop (v2sf)  }
0x13b: {  	s10 =	spop (v2sf)  }
0x13c: {  	p0 =	sgt.f32 s25, s10  }
0x13d: {  	v2, _, _ =	vpop (xrf1)  }
0x13e: {  	(xrf0) =	vmax.scan.msk.f32 $0xffff, v1;
	v0 =	vpsel p0, v2, v0  }
0x13f: {  	(xrf0) =	vmin.scan.msk.f32 $0xffff, v0;
	_ =	sdelay $0x4  }
0x140: {  	v1, _, _ =	vpop (xrf0)  }
0x141: {  	(v2sf) =	vpush v1, $0xF;
	v1, _, _ =	vpop (xrf0)  }
0x142: {  	(v2sf) =	vpush v1, $0xF  }
0x143: {  	v1, _, _ =	vpop (xrf1)  }
0x144: {  	v1 =	vmax.f32 v0, v1  }
0x145: {  	(xrf1) =	vsort.ascd.msk.f32 $0xffff, v1, v1;
	_ =	sdelay $0xa  }
0x146: {  	s26 =	spop (v2sf)  }
0x147: {  	s28 =	spop (v2sf)  }
0x148: {  	p6 =	sgt.f32 s26, s28  }
0x149: {  	s29 =	simm.s32 $0x0;
	v1, _, _ =	vpop (xrf1)  }
0x14a: {  	s30 =	sand.u32 $0x70, s29;
	s9 =	sand.u32 $0x7C00, s29;
	v0 =	vpsel p6, v1, v0  }
0x14b: {  	s9 =	sor.u32 s30, s9;
	[tilespmem:$0x8280] =	vst v0  }
0x14c: {  	v0 =	vld [tilespmem:s9+$0x300];
	_ =	sdelay $0x4  }
0x14d: {  	v0 =	vand.u32 $0x7FFFFFFF, v0  }
0x14e: {  	(xrf1) =	vsort.dscd.msk.f32 $0xffff, v0, v0;
	_ =	sdelay $0x4  }
0x14f: {  	(xrf0) =	vmax.scan.msk.f32 $0xffff, v0;
	v0 =	vimm.f32 $-1.000000000e+00  }
0x150: {  	(xrf0) =	vmin.scan.msk.f32 $0xffff, v0;
	_ =	sdelay $0x4  }
0x151: {  	v1, _, _ =	vpop (xrf0)  }
0x152: {  	(v2sf) =	vpush v1, $0xF;
	v1, _, _ =	vpop (xrf0)  }
0x153: {  	(v2sf) =	vpush v1, $0xF  }
0x154: {  	v2, _, _ =	vpop (xrf1)  }
0x155: {  	v2 =	vmax.f32 v0, v2  }
0x156: {  	(xrf1) =	vsort.ascd.msk.f32 $0xffff, v2, v2  }
0x157: {  	s31 =	simm.s32 $0x10;
	s9 =	simm.s32 $0x80  }
0x158: {  	s11 =	sand.u32 $0x70, s31;
	s10 =	simm.s32 $0x20;
	s12 =	sand.u32 $0x7C00, s9  }
.LBB2_14:
0x159: {  	p0 =	sne.s32 s10, $0xFF0;
	s11 =	sor.u32 s11, s12  }
0x15a: {  	v1 =	vld [tilespmem:s11+$0x300];
	_ =	sdelay $0x4  }
0x15b: {  	v1 =	vand.u32 $0x7FFFFFFF, v1  }
0x15c: {  	(xrf1) =	vsort.dscd.msk.f32 $0xffff, v1, v1  }
0x15d: {  	s11 =	spop (v2sf)  }
0x15e: {  	s12 =	spop (v2sf)  }
0x15f: {  	p1 =	sgt.f32 s11, s12  }
0x160: {  	v2, _, _ =	vpop (xrf1)  }
0x161: {  	(xrf0) =	vmax.scan.msk.f32 $0xffff, v1;
	v0 =	vpsel p1, v2, v0  }
0x162: {  	(xrf0) =	vmin.scan.msk.f32 $0xffff, v0;
	_ =	sdelay $0x4  }
0x163: {  	v1, _, _ =	vpop (xrf0)  }
0x164: {  	(v2sf) =	vpush v1, $0xF;
	v1, _, _ =	vpop (xrf0)  }
0x165: {  	(v2sf) =	vpush v1, $0xF  }
.Ltmp6:
0x166: {  	v1, _, _ =	vpop (xrf1);
	(pc) =	sbr.rel @p0 .LBB2_14-.Ltmp6, $4  }
0x167: {  	v1 =	vmax.f32 v0, v1  }
0x168: {  	(xrf1) =	vsort.ascd.msk.f32 $0xffff, v1, v1  }
0x169: {  	s9 =	sadd.s32 $0x80, s9  }
0x16a: {  	s11 =	sand.u32 $0x70, s10;
	s12 =	sand.u32 $0x7C00, s9;
	s10 =	sadd.s32 $0x10, s10  }
0x16b: {  	s9 =	sor.u32 s11, s12  }
0x16c: {  	v1 =	vld [tilespmem:s9+$0x300];
	_ =	sdelay $0x4  }
0x16d: {  	v1 =	vand.u32 $0x7FFFFFFF, v1  }
0x16e: {  	(xrf1) =	vsort.dscd.msk.f32 $0xffff, v1, v1  }
0x16f: {  	s28 =	spop (v2sf)  }
0x170: {  	s10 =	spop (v2sf)  }
0x171: {  	p0 =	sgt.f32 s28, s10  }
0x172: {  	v2, _, _ =	vpop (xrf1)  }
0x173: {  	(xrf0) =	vmax.scan.msk.f32 $0xffff, v1;
	v0 =	vpsel p0, v2, v0  }
0x174: {  	(xrf0) =	vmin.scan.msk.f32 $0xffff, v0;
	_ =	sdelay $0x4  }
0x175: {  	v1, _, _ =	vpop (xrf0)  }
0x176: {  	(v2sf) =	vpush v1, $0xF;
	v1, _, _ =	vpop (xrf0)  }
0x177: {  	(v2sf) =	vpush v1, $0xF  }
0x178: {  	v1, _, _ =	vpop (xrf1)  }
0x179: {  	v1 =	vmax.f32 v0, v1  }
0x17a: {  	(xrf1) =	vsort.ascd.msk.f32 $0xffff, v1, v1;
	_ =	sdelay $0xa  }
0x17b: {  	s29 =	spop (v2sf)  }
0x17c: {  	s9 =	simm.s32 $0x0;
	s30 =	spop (v2sf)  }
0x17d: {  	s31 =	sand.u32 $0x7, s9;
	p6 =	sgt.f32 s29, s30  }
0x17e: {  	s10 =	sshll.u32 s31, $0x4;
	v1, _, _ =	vpop (xrf1)  }
0x17f: {  	s10 =	sadd.s32 $0x0, s10;
	v0 =	vpsel p6, v1, v0  }
0x180: {  	s10 =	sor.u32 $0x380, s10;
	[tilespmem:$0x8300] =	vst v0  }
0x181: {  	v0 =	vld [tilespmem:s10+$0x0];
	_ =	sdelay $0x4  }
0x182: {  	v0 =	vand.u32 $0x7FFFFFFF, v0  }
0x183: {  	(xrf1) =	vsort.dscd.msk.f32 $0xffff, v0, v0;
	_ =	sdelay $0x4  }
0x184: {  	(xrf0) =	vmax.scan.msk.f32 $0xffff, v0;
	v0 =	vimm.f32 $-1.000000000e+00  }
0x185: {  	(xrf0) =	vmin.scan.msk.f32 $0xffff, v0;
	_ =	sdelay $0x4  }
0x186: {  	v1, _, _ =	vpop (xrf0)  }
0x187: {  	(v2sf) =	vpush v1, $0xF;
	v1, _, _ =	vpop (xrf0)  }
0x188: {  	(v2sf) =	vpush v1, $0xF  }
0x189: {  	v2, _, _ =	vpop (xrf1)  }
0x18a: {  	s10 =	simm.s32 $0x1;
	v2 =	vmax.f32 v0, v2  }
0x18b: {  	s11 =	simm.s32 $0x20;
	s12 =	sand.u32 $0x7, s10;
	(xrf1) =	vsort.ascd.msk.f32 $0xffff, v2, v2  }
.LBB2_16:
0x18c: {  	p0 =	sne.s32 s11, $0xFF0;
	s12 =	sshll.u32 s12, $0x4;
	s9 =	sadd.s32 $0x80, s9  }
0x18d: {  	s12 =	sadd.s32 s12, s9  }
0x18e: {  	s12 =	sor.u32 $0x380, s12  }
0x18f: {  	v1 =	vld [tilespmem:s12+$0x0];
	_ =	sdelay $0x4  }
0x190: {  	v1 =	vand.u32 $0x7FFFFFFF, v1  }
0x191: {  	(xrf1) =	vsort.dscd.msk.f32 $0xffff, v1, v1  }
0x192: {  	s12 =	spop (v2sf)  }
0x193: {  	s13 =	spop (v2sf)  }
0x194: {  	p1 =	sgt.f32 s12, s13  }
0x195: {  	v2, _, _ =	vpop (xrf1)  }
0x196: {  	(xrf0) =	vmax.scan.msk.f32 $0xffff, v1;
	v0 =	vpsel p1, v2, v0  }
0x197: {  	(xrf0) =	vmin.scan.msk.f32 $0xffff, v0;
	_ =	sdelay $0x4  }
0x198: {  	v1, _, _ =	vpop (xrf0)  }
.Ltmp7:
0x199: {  	(v2sf) =	vpush v1, $0xF;
	v1, _, _ =	vpop (xrf0);
	(pc) =	sbr.rel @p0 .LBB2_16-.Ltmp7, $4  }
0x19a: {  	(v2sf) =	vpush v1, $0xF  }
0x19b: {  	v1, _, _ =	vpop (xrf1)  }
0x19c: {  	s10 =	sadd.s32 $0x1, s10;
	v1 =	vmax.f32 v0, v1  }
0x19d: {  	s11 =	sadd.s32 $0x10, s11;
	s12 =	sand.u32 $0x7, s10;
	(xrf1) =	vsort.ascd.msk.f32 $0xffff, v1, v1  }
0x19e: {  	s10 =	sshll.u32 s12, $0x4;
	s9 =	sadd.s32 $0x80, s9  }
0x19f: {  	s9 =	sadd.s32 s10, s9  }
0x1a0: {  	s9 =	sor.u32 $0x380, s9  }
0x1a1: {  	v1 =	vld [tilespmem:s9+$0x0];
	_ =	sdelay $0x4  }
0x1a2: {  	v1 =	vand.u32 $0x7FFFFFFF, v1  }
0x1a3: {  	(xrf1) =	vsort.dscd.msk.f32 $0xffff, v1, v1  }
0x1a4: {  	s28 =	spop (v2sf)  }
0x1a5: {  	s29 =	spop (v2sf)  }
0x1a6: {  	p0 =	sgt.f32 s28, s29  }
0x1a7: {  	v2, _, _ =	vpop (xrf1)  }
0x1a8: {  	(xrf0) =	vmax.scan.msk.f32 $0xffff, v1;
	v0 =	vpsel p0, v2, v0  }
0x1a9: {  	(xrf0) =	vmin.scan.msk.f32 $0xffff, v0;
	_ =	sdelay $0x4  }
0x1aa: {  	v1, _, _ =	vpop (xrf0)  }
0x1ab: {  	(v2sf) =	vpush v1, $0xF;
	v62, _, _ =	vpop (xrf0)  }
0x1ac: {  	(v2sf) =	vpush v62, $0xF  }
0x1ad: {  	v63, _, _ =	vpop (xrf1)  }
0x1ae: {  	v1 =	vmax.f32 v0, v63  }
0x1af: {  	(xrf1) =	vsort.ascd.msk.f32 $0xffff, v1, v1;
	_ =	sdelay $0xa  }
0x1b0: {  	s30 =	spop (v2sf)  }
0x1b1: {  	s31 =	spop (v2sf)  }
0x1b2: {  	p6 =	sgt.f32 s30, s31  }
0x1b3: {  	s8 =	sadd.s32 $0x1, s8;
	v1, _, _ =	vpop (xrf1)  }
0x1b4: {  	p0 =	sne.s32 s8, s5;
	v0 =	vpsel p6, v1, v0  }
.Ltmp8:
0x1b5: {  	[tilespmem:$0x8380] =	vst v0;
	(pc) =	sbr.rel @p0 .LBB2_1-.Ltmp8, $4  }
0x1b6: {  	[hbm4b:s4+s2] =	stream.linear.scatter [tilespmem:s7], [sflag:$0x1], $0x400, $0x38;
	[tilespmem:$0x8400] =	vst v63  }
0x1b7: {  	_ =	swait.ge [sflag:s6], $0x400  }
0x1b8: {  	[sflag:s6] =	ssyncset.done $0x0  }
0x1b9: {  	[sflag:s6] =	ssyncadd.s32 $0xFFFFFC00  }
0x1ba: {  	_ =	sfence.sel $0x180000  }
0x1bb: {  	[bflag:$0x0] =	sbarrier.arrive $0xFFFF  }
0x1bc: {  	p0 =	sne.s32 s1, $0x0;
	_ =	strace $0x90000047  }
0x1bd: {  	s0 =	sadd.s32 @!p0 $0x100000, s0;
	[bflag:$0x2] =	sbarrier.arrive $0xFFFF  }
0x1be: {  	[sflag:s0] =	ssyncadd.tile.s32 @!p0 $0x1;
	_ =	shalt  }
.Lfunc_end2:
_tile_overlayer_lowered:
.L_overlay_start_2:
0x1bf: {  	(tag) =	ssettag $0x2  }
0x1c0: {  	s0 =	rddreg [dreg:$0x0];
	s2 =	stileid.u32  }
0x1c1: {  	s1 =	rddreg [dreg:$0x1];
	p0 =	sne.s32 s2, $0x0  }
0x1c2: {  	s3 =	rddreg [dreg:$0x2];
	[bflag:$0x3] =	sbarrier.arrive $0xFFFF;
	s2 =	simm.s32 @!p0 $0x1C01  }
0x1c3: {  	[timem:s3], [sflag:s2] =	dma.local @!p0 [hbm:s0], s1  }
0x1c4: {  	s0 =	simm.s32 @!p0 $0x1  }
0x1c5: {  	_ =	swait.ge @!p0 [sflag:s0], s1  }
0x1c6: {  	s1 =	ssub.s32 @!p0 $0x0, s1;
	[sflag:s0] =	ssyncset.done @!p0 $0x0  }
0x1c7: {  	[sflag:s0] =	ssyncadd.s32 @!p0 s1  }
0x1c8: {  	[bflag:$0x3] =	sbarrier.arrive $0xFFFF  }
0x1c9: {  	_ =	shalt  }

</sc_bundles>
